<compile_context>
chip_gen: v7x
topology: tpu7x:2x2x1
jax: 0.10.2.dev20260603
libtpu: 0.0.44.dev20260713+nightly
codegen_flags: <defaults>
</compile_context>

<pallas_src>
import functools

import jax
import jax.numpy as jnp
from jax import lax
from jax.experimental import pallas as pl
from jax.experimental.pallas import tpu as pltpu
from jax.experimental.pallas import tpu_sc as plsc

def _tc_body(x_ref, w_ref, b_ref, o_ref):
    o_ref[...] = (
        jnp.dot(x_ref[...], w_ref[...], preferred_element_type=jnp.float32)
        + b_ref[...]
    )


def _heads_matmul(x, w_all, b_all, bn, row0, nrows, ec):
    n, d = x.shape
    blk0 = row0 // bn
    return pl.pallas_call(
        _tc_body,
        grid=(nrows // bn,),
        in_specs=[
            pl.BlockSpec((bn, d), lambda i: (i + blk0, 0)),
            pl.BlockSpec((d, ec), lambda i: (0, 0)),
            pl.BlockSpec((1, ec), lambda i: (0, 0)),
        ],
        out_specs=pl.BlockSpec((bn, ec), lambda i: (i, 0)),
        out_shape=jax.ShapeDtypeStruct((nrows, ec), jnp.float32),
    )(x, w_all, b_all)


def _sc_route(full, t1d, n, c, ec):
    info = plsc.get_sparse_core_info()
    nc, ns = info.num_cores, info.num_subcores
    nw = nc * ns
    per_w = n // nw

    mesh = plsc.VectorSubcoreMesh(core_axis_name="c", subcore_axis_name="s")

    @functools.partial(
        pl.kernel,
        out_type=jax.ShapeDtypeStruct((n, c), jnp.float32),
        mesh=mesh,
        compiler_params=pltpu.CompilerParams(needs_layout_passes=False),
        scratch_types=[
            pltpu.VMEM((per_w,), jnp.int32),
            pltpu.VMEM((per_w, ec), jnp.float32),
            pltpu.VMEM((per_w, c), jnp.float32),
            pltpu.SemaphoreType.DMA,
            pltpu.SemaphoreType.DMA,
        ],
    )
    def k(full_ref, t_ref, out_ref, tv, chunk, outv, sem0, sem1):
        wid = lax.axis_index("s") * nc + lax.axis_index("c")
        base = wid * per_w
        half = per_w // 2
        cp_t = pltpu.async_copy(t_ref.at[pl.ds(base, per_w)], tv, sem0)
        cp0 = pltpu.async_copy(
            full_ref.at[pl.ds(base, half)], chunk.at[pl.ds(0, half)], sem0
        )
        cp1 = pltpu.async_copy(
            full_ref.at[pl.ds(base + half, half)], chunk.at[pl.ds(half, half)], sem1
        )
        lane = lax.broadcasted_iota(jnp.int32, (16,), 0)

        def body(tg, _):
            tok = tg * 16 + lane
            colbase = tv[pl.ds(tg * 16, 16)] * c
            for cc in range(c):
                vals = plsc.load_gather(chunk, [tok, colbase + cc])
                plsc.store_scatter(outv, [tok, jnp.full((16,), cc, jnp.int32)], vals)
            return 0

        cp_t.wait()
        cp0.wait()
        lax.fori_loop(0, half // 16, body, 0, unroll=8)
        cp_o0 = pltpu.async_copy(
            outv.at[pl.ds(0, half)], out_ref.at[pl.ds(base, half)], sem0
        )
        cp1.wait()
        lax.fori_loop(half // 16, per_w // 16, body, 0, unroll=8)
        cp_o0.wait()
        pltpu.sync_copy(
            outv.at[pl.ds(half, half)], out_ref.at[pl.ds(base + half, half)]
        )

    return k(full, t1d)


def kernel(x, t, W, b):
    n, d = x.shape
    e, _, c = W.shape
    ec = e * c
    w_all = W.transpose(1, 0, 2).reshape(d, ec)
    b_all = b.reshape(1, ec)
    t1d = t.astype(jnp.int32)
    full = _heads_matmul(x, w_all, b_all, 2048, 0, n, ec)
    return _sc_route(full, t1d, n, c, ec)

# --- scband reference (transcript-rebuilt; emitter-appended) ---
"""Pipeline reference for scband-multi-head-model-23098334118525 (READ-ONLY COPY).

The authoritative reference and input builder live on the scoring server;
editing this copy changes nothing except your own understanding.
"""

import jax, jax.numpy as jnp
import numpy as np

N = 8192        # batch(1) * seq_len(8192) tokens
D = 768         # backbone hidden_dim
E = 8           # n_tasks (experts)
C = 80 // 8     # n_classes_per_head = num_classes // n_tasks = 10


def setup_inputs(seed: int = 0) -> dict:
    key = jax.random.key(seed)
    k1, k2, k3 = jax.random.split(key, 3)
    x = jax.random.normal(k1, (N, D), dtype=jnp.float32)
    t = jax.random.randint(k2, (N,), 0, E, dtype=jnp.int64)
    # per-task classifier params: nn.Linear(hidden_dim, classes_per_head) for each task
    W = jax.random.normal(k3, (E, D, C), dtype=jnp.float32) * 0.02
    b = jnp.zeros((E, C), dtype=jnp.float32)
    return {"x": x, "t": t, "W": W, "b": b}


def reference(x, t, W, b):
    # Faithful to forward_head: each sample i is routed to classifier[t[i]],
    # pred[i] = x[i] @ W[t[i]] + b[t[i]]  (scatter of per-task linear outputs
    # into a dense [N, C] buffer). Implemented as a per-token weight gather
    # followed by a batched matvec -- memory-bound gather dominates.
    t = t.astype(jnp.int32)
    We = jnp.take(W, t, axis=0)   # [N, D, C] gather of expert weights
    be = jnp.take(b, t, axis=0)   # [N, C]
    pred = jnp.einsum('nd,ndc->nc', x, We) + be
    return pred

if __name__ == "__main__":
    import jax
    _d = setup_inputs()
    print(jax.jit(kernel)(*tuple(_d.values())))

</pallas_src>

<mosaic_0001>
#map = affine_map<(d0, d1) -> (0, 0)>
#map1 = affine_map<(d0, d1) -> (0)>
module attributes {stable_mosaic.version = 14 : i64} {
  func.func @k(%arg0: i32, %arg1: i32, %arg2: memref<8192x80xf32, #tpu.memory_space<hbm>>, %arg3: memref<8192xi32, #tpu.memory_space<hbm>>, %arg4: memref<8192x10xf32, #tpu.memory_space<hbm>>, %arg5: memref<256xi32, #tpu.memory_space<vmem>>, %arg6: memref<256x80xf32, #tpu.memory_space<vmem>>, %arg7: memref<256x10xf32, #tpu.memory_space<vmem>>, %arg8: memref<!tpu.dma_semaphore, #tpu.memory_space<semaphore_mem>>, %arg9: memref<!tpu.dma_semaphore, #tpu.memory_space<semaphore_mem>>) attributes {dimension_semantics = [#tpu.dimension_semantics<core_parallel>, #tpu.dimension_semantics<subcore_parallel>], iteration_bounds = array<i64: 2, 16>, scalar_prefetch = 0 : i64, scratch_operands = 5 : i64, tpu.core_type = #tpu.core_type<sc_vector_subcore>, window_params = [{transform_indices = #map}, {transform_indices = #map1}, {transform_indices = #map}]} {
    %mul3A = arith.constant 2 : i32
    %mul3A_0 = arith.muli %arg1, %mul3A : i32
    %add3A = arith.addi %mul3A_0, %arg0 : i32
    %mul3A_1 = arith.constant 256 : i32
    %mul3A_2 = arith.muli %add3A, %mul3A_1 : i32
    %dma_start3A = tpu.memref_slice %arg3[%mul3A_2] : memref<8192xi32, #tpu.memory_space<hbm>> -> memref<256xi32, #tpu.memory_space<hbm>>
    %dma_start3A_3 = tpu.memref_slice %arg3[%mul3A_2] : memref<8192xi32, #tpu.memory_space<hbm>> -> memref<256xi32, #tpu.memory_space<hbm>>
    tpu.enqueue_dma source(%dma_start3A_3 : memref<256xi32, #tpu.memory_space<hbm>>) target(%arg5 : memref<256xi32, #tpu.memory_space<vmem>>) target_semaphore(%arg8 : memref<!tpu.dma_semaphore, #tpu.memory_space<semaphore_mem>>)
    %dma_start3A_4 = arith.constant 0 : i32
    %dma_start3A_5 = arith.constant 0 : i32
    %dma_start3A_6 = tpu.memref_slice %arg6[%dma_start3A_4, %dma_start3A_5] : memref<256x80xf32, #tpu.memory_space<vmem>> -> memref<128x80xf32, #tpu.memory_space<vmem>>
    %dma_start3A_7 = arith.constant 0 : i32
    %dma_start3A_8 = tpu.memref_slice %arg2[%mul3A_2, %dma_start3A_7] : memref<8192x80xf32, #tpu.memory_space<hbm>> -> memref<128x80xf32, #tpu.memory_space<hbm>>
    %dma_start3A_9 = arith.constant 0 : i32
    %dma_start3A_10 = arith.constant 0 : i32
    %dma_start3A_11 = tpu.memref_slice %arg6[%dma_start3A_9, %dma_start3A_10] : memref<256x80xf32, #tpu.memory_space<vmem>> -> memref<128x80xf32, #tpu.memory_space<vmem>>
    %dma_start3A_12 = arith.constant 0 : i32
    %dma_start3A_13 = tpu.memref_slice %arg2[%mul3A_2, %dma_start3A_12] : memref<8192x80xf32, #tpu.memory_space<hbm>> -> memref<128x80xf32, #tpu.memory_space<hbm>>
    tpu.enqueue_dma source(%dma_start3A_13 : memref<128x80xf32, #tpu.memory_space<hbm>>) target(%dma_start3A_11 : memref<128x80xf32, #tpu.memory_space<vmem>>) target_semaphore(%arg8 : memref<!tpu.dma_semaphore, #tpu.memory_space<semaphore_mem>>)
    %add3A_14 = arith.constant 128 : i32
    %add3A_15 = arith.addi %mul3A_2, %add3A_14 : i32
    %dma_start3A_16 = arith.constant 128 : i32
    %dma_start3A_17 = arith.constant 0 : i32
    %dma_start3A_18 = tpu.memref_slice %arg6[%dma_start3A_16, %dma_start3A_17] : memref<256x80xf32, #tpu.memory_space<vmem>> -> memref<128x80xf32, #tpu.memory_space<vmem>>
    %dma_start3A_19 = arith.constant 0 : i32
    %dma_start3A_20 = tpu.memref_slice %arg2[%add3A_15, %dma_start3A_19] : memref<8192x80xf32, #tpu.memory_space<hbm>> -> memref<128x80xf32, #tpu.memory_space<hbm>>
    %dma_start3A_21 = arith.constant 128 : i32
    %dma_start3A_22 = arith.constant 0 : i32
    %dma_start3A_23 = tpu.memref_slice %arg6[%dma_start3A_21, %dma_start3A_22] : memref<256x80xf32, #tpu.memory_space<vmem>> -> memref<128x80xf32, #tpu.memory_space<vmem>>
    %dma_start3A_24 = arith.constant 0 : i32
    %dma_start3A_25 = tpu.memref_slice %arg2[%add3A_15, %dma_start3A_24] : memref<8192x80xf32, #tpu.memory_space<hbm>> -> memref<128x80xf32, #tpu.memory_space<hbm>>
    tpu.enqueue_dma source(%dma_start3A_25 : memref<128x80xf32, #tpu.memory_space<hbm>>) target(%dma_start3A_23 : memref<128x80xf32, #tpu.memory_space<vmem>>) target_semaphore(%arg9 : memref<!tpu.dma_semaphore, #tpu.memory_space<semaphore_mem>>)
    %iota3A = tpu.iota {dimensions = array<i32: 0>} : vector<16xi32>
    %dma_wait3A = tpu.memref_slice %arg3[%mul3A_2] : memref<8192xi32, #tpu.memory_space<hbm>> -> memref<256xi32, #tpu.memory_space<hbm>>
    %dma_wait3A_26 = tpu.memref_slice %arg3[%mul3A_2] : memref<8192xi32, #tpu.memory_space<hbm>> -> memref<256xi32, #tpu.memory_space<hbm>>
    tpu.wait_dma2 semaphore(%arg8 : memref<!tpu.dma_semaphore, #tpu.memory_space<semaphore_mem>>) src(%dma_wait3A_26 : memref<256xi32, #tpu.memory_space<hbm>>) dst(%arg5 : memref<256xi32, #tpu.memory_space<vmem>>)
    %dma_wait3A_27 = arith.constant 0 : i32
    %dma_wait3A_28 = arith.constant 0 : i32
    %dma_wait3A_29 = tpu.memref_slice %arg6[%dma_wait3A_27, %dma_wait3A_28] : memref<256x80xf32, #tpu.memory_space<vmem>> -> memref<128x80xf32, #tpu.memory_space<vmem>>
    %dma_wait3A_30 = arith.constant 0 : i32
    %dma_wait3A_31 = tpu.memref_slice %arg2[%mul3A_2, %dma_wait3A_30] : memref<8192x80xf32, #tpu.memory_space<hbm>> -> memref<128x80xf32, #tpu.memory_space<hbm>>
    %dma_wait3A_32 = arith.constant 0 : i32
    %dma_wait3A_33 = arith.constant 0 : i32
    %dma_wait3A_34 = tpu.memref_slice %arg6[%dma_wait3A_32, %dma_wait3A_33] : memref<256x80xf32, #tpu.memory_space<vmem>> -> memref<128x80xf32, #tpu.memory_space<vmem>>
    %dma_wait3A_35 = arith.constant 0 : i32
    %dma_wait3A_36 = tpu.memref_slice %arg2[%mul3A_2, %dma_wait3A_35] : memref<8192x80xf32, #tpu.memory_space<hbm>> -> memref<128x80xf32, #tpu.memory_space<hbm>>
    tpu.wait_dma2 semaphore(%arg8 : memref<!tpu.dma_semaphore, #tpu.memory_space<semaphore_mem>>) src(%dma_wait3A_36 : memref<128x80xf32, #tpu.memory_space<hbm>>) dst(%dma_wait3A_34 : memref<128x80xf32, #tpu.memory_space<vmem>>)
    %scan3A = arith.constant 0 : i32
    %scan3A_37 = arith.constant 0 : i32
    %mul3A_38 = arith.constant 16 : i32
    %mul3A_39 = arith.muli %scan3A_37, %mul3A_38 : i32
    %add3A_40 = vector.broadcast %mul3A_39 : i32 to vector<16xi32>
    %add3A_41 = arith.addi %add3A_40, %iota3A : vector<16xi32>
    %mul3A_42 = arith.constant 16 : i32
    %mul3A_43 = arith.muli %scan3A_37, %mul3A_42 : i32
    %get3A = arith.index_cast %mul3A_43 : i32 to index
    %get3A_44 = tpu.vector_load %arg5[%get3A] {strides = array<i32>} : memref<256xi32, #tpu.memory_space<vmem>>, vector<16xi32>,
    %mul3A_45 = arith.constant 10 : i32
    %mul3A_46 = vector.broadcast %mul3A_45 : i32 to vector<16xi32>
    %mul3A_47 = arith.muli %get3A_44, %mul3A_46 : vector<16xi32>
    %add3A_48 = arith.constant 0 : i32
    %add3A_49 = vector.broadcast %add3A_48 : i32 to vector<16xi32>
    %add3A_50 = arith.addi %mul3A_47, %add3A_49 : vector<16xi32>
    %gather3A = tpu.vector_load_idx %arg6[%add3A_41, %add3A_50] : memref<256x80xf32, #tpu.memory_space<vmem>>[vector<16xi32>, vector<16xi32>], vector<16xf32>,
    %broadcast_in_dim3A = arith.constant 0 : i32
    %broadcast_in_dim3A_51 = vector.broadcast %broadcast_in_dim3A : i32 to vector<16xi32>
    tpu.vector_store_idx %arg7[%add3A_41, %broadcast_in_dim3A_51], %gather3A : memref<256x10xf32, #tpu.memory_space<vmem>>[vector<16xi32>, vector<16xi32>], vector<16xf32>,
    %add3A_52 = arith.constant 1 : i32
    %add3A_53 = vector.broadcast %add3A_52 : i32 to vector<16xi32>
    %add3A_54 = arith.addi %mul3A_47, %add3A_53 : vector<16xi32>
    %gather3A_55 = tpu.vector_load_idx %arg6[%add3A_41, %add3A_54] : memref<256x80xf32, #tpu.memory_space<vmem>>[vector<16xi32>, vector<16xi32>], vector<16xf32>,
    %broadcast_in_dim3A_56 = arith.constant 1 : i32
    %broadcast_in_dim3A_57 = vector.broadcast %broadcast_in_dim3A_56 : i32 to vector<16xi32>
    tpu.vector_store_idx %arg7[%add3A_41, %broadcast_in_dim3A_57], %gather3A_55 : memref<256x10xf32, #tpu.memory_space<vmem>>[vector<16xi32>, vector<16xi32>], vector<16xf32>,
    %add3A_58 = arith.constant 2 : i32
    %add3A_59 = vector.broadcast %add3A_58 : i32 to vector<16xi32>
    %add3A_60 = arith.addi %mul3A_47, %add3A_59 : vector<16xi32>
    %gather3A_61 = tpu.vector_load_idx %arg6[%add3A_41, %add3A_60] : memref<256x80xf32, #tpu.memory_space<vmem>>[vector<16xi32>, vector<16xi32>], vector<16xf32>,
    %broadcast_in_dim3A_62 = arith.constant 2 : i32
    %broadcast_in_dim3A_63 = vector.broadcast %broadcast_in_dim3A_62 : i32 to vector<16xi32>
    tpu.vector_store_idx %arg7[%add3A_41, %broadcast_in_dim3A_63], %gather3A_61 : memref<256x10xf32, #tpu.memory_space<vmem>>[vector<16xi32>, vector<16xi32>], vector<16xf32>,
    %add3A_64 = arith.constant 3 : i32
    %add3A_65 = vector.broadcast %add3A_64 : i32 to vector<16xi32>
    %add3A_66 = arith.addi %mul3A_47, %add3A_65 : vector<16xi32>
    %gather3A_67 = tpu.vector_load_idx %arg6[%add3A_41, %add3A_66] : memref<256x80xf32, #tpu.memory_space<vmem>>[vector<16xi32>, vector<16xi32>], vector<16xf32>,
    %broadcast_in_dim3A_68 = arith.constant 3 : i32
    %broadcast_in_dim3A_69 = vector.broadcast %broadcast_in_dim3A_68 : i32 to vector<16xi32>
    tpu.vector_store_idx %arg7[%add3A_41, %broadcast_in_dim3A_69], %gather3A_67 : memref<256x10xf32, #tpu.memory_space<vmem>>[vector<16xi32>, vector<16xi32>], vector<16xf32>,
    %add3A_70 = arith.constant 4 : i32
    %add3A_71 = vector.broadcast %add3A_70 : i32 to vector<16xi32>
    %add3A_72 = arith.addi %mul3A_47, %add3A_71 : vector<16xi32>
    %gather3A_73 = tpu.vector_load_idx %arg6[%add3A_41, %add3A_72] : memref<256x80xf32, #tpu.memory_space<vmem>>[vector<16xi32>, vector<16xi32>], vector<16xf32>,
    %broadcast_in_dim3A_74 = arith.constant 4 : i32
    %broadcast_in_dim3A_75 = vector.broadcast %broadcast_in_dim3A_74 : i32 to vector<16xi32>
    tpu.vector_store_idx %arg7[%add3A_41, %broadcast_in_dim3A_75], %gather3A_73 : memref<256x10xf32, #tpu.memory_space<vmem>>[vector<16xi32>, vector<16xi32>], vector<16xf32>,
    %add3A_76 = arith.constant 5 : i32
    %add3A_77 = vector.broadcast %add3A_76 : i32 to vector<16xi32>
    %add3A_78 = arith.addi %mul3A_47, %add3A_77 : vector<16xi32>
    %gather3A_79 = tpu.vector_load_idx %arg6[%add3A_41, %add3A_78] : memref<256x80xf32, #tpu.memory_space<vmem>>[vector<16xi32>, vector<16xi32>], vector<16xf32>,
    %broadcast_in_dim3A_80 = arith.constant 5 : i32
    %broadcast_in_dim3A_81 = vector.broadcast %broadcast_in_dim3A_80 : i32 to vector<16xi32>
    tpu.vector_store_idx %arg7[%add3A_41, %broadcast_in_dim3A_81], %gather3A_79 : memref<256x10xf32, #tpu.memory_space<vmem>>[vector<16xi32>, vector<16xi32>], vector<16xf32>,
    %add3A_82 = arith.constant 6 : i32
    %add3A_83 = vector.broadcast %add3A_82 : i32 to vector<16xi32>
    %add3A_84 = arith.addi %mul3A_47, %add3A_83 : vector<16xi32>
    %gather3A_85 = tpu.vector_load_idx %arg6[%add3A_41, %add3A_84] : memref<256x80xf32, #tpu.memory_space<vmem>>[vector<16xi32>, vector<16xi32>], vector<16xf32>,
    %broadcast_in_dim3A_86 = arith.constant 6 : i32
    %broadcast_in_dim3A_87 = vector.broadcast %broadcast_in_dim3A_86 : i32 to vector<16xi32>
    tpu.vector_store_idx %arg7[%add3A_41, %broadcast_in_dim3A_87], %gather3A_85 : memref<256x10xf32, #tpu.memory_space<vmem>>[vector<16xi32>, vector<16xi32>], vector<16xf32>,
    %add3A_88 = arith.constant 7 : i32
    %add3A_89 = vector.broadcast %add3A_88 : i32 to vector<16xi32>
    %add3A_90 = arith.addi %mul3A_47, %add3A_89 : vector<16xi32>
    %gather3A_91 = tpu.vector_load_idx %arg6[%add3A_41, %add3A_90] : memref<256x80xf32, #tpu.memory_space<vmem>>[vector<16xi32>, vector<16xi32>], vector<16xf32>,
    %broadcast_in_dim3A_92 = arith.constant 7 : i32
    %broadcast_in_dim3A_93 = vector.broadcast %broadcast_in_dim3A_92 : i32 to vector<16xi32>
    tpu.vector_store_idx %arg7[%add3A_41, %broadcast_in_dim3A_93], %gather3A_91 : memref<256x10xf32, #tpu.memory_space<vmem>>[vector<16xi32>, vector<16xi32>], vector<16xf32>,
    %add3A_94 = arith.constant 8 : i32
    %add3A_95 = vector.broadcast %add3A_94 : i32 to vector<16xi32>
    %add3A_96 = arith.addi %mul3A_47, %add3A_95 : vector<16xi32>
    %gather3A_97 = tpu.vector_load_idx %arg6[%add3A_41, %add3A_96] : memref<256x80xf32, #tpu.memory_space<vmem>>[vector<16xi32>, vector<16xi32>], vector<16xf32>,
    %broadcast_in_dim3A_98 = arith.constant 8 : i32
    %broadcast_in_dim3A_99 = vector.broadcast %broadcast_in_dim3A_98 : i32 to vector<16xi32>
    tpu.vector_store_idx %arg7[%add3A_41, %broadcast_in_dim3A_99], %gather3A_97 : memref<256x10xf32, #tpu.memory_space<vmem>>[vector<16xi32>, vector<16xi32>], vector<16xf32>,
    %add3A_100 = arith.constant 9 : i32
    %add3A_101 = vector.broadcast %add3A_100 : i32 to vector<16xi32>
    %add3A_102 = arith.addi %mul3A_47, %add3A_101 : vector<16xi32>
    %gather3A_103 = tpu.vector_load_idx %arg6[%add3A_41, %add3A_102] : memref<256x80xf32, #tpu.memory_space<vmem>>[vector<16xi32>, vector<16xi32>], vector<16xf32>,
    %broadcast_in_dim3A_104 = arith.constant 9 : i32
    %broadcast_in_dim3A_105 = vector.broadcast %broadcast_in_dim3A_104 : i32 to vector<16xi32>
    tpu.vector_store_idx %arg7[%add3A_41, %broadcast_in_dim3A_105], %gather3A_103 : memref<256x10xf32, #tpu.memory_space<vmem>>[vector<16xi32>, vector<16xi32>], vector<16xf32>,
    %scan3A_106 = arith.constant 0 : i32
    %scan3A_107 = arith.constant 1 : i32
    %mul3A_108 = arith.constant 16 : i32
    %mul3A_109 = arith.muli %scan3A_107, %mul3A_108 : i32
    %add3A_110 = vector.broadcast %mul3A_109 : i32 to vector<16xi32>
    %add3A_111 = arith.addi %add3A_110, %iota3A : vector<16xi32>
    %mul3A_112 = arith.constant 16 : i32
    %mul3A_113 = arith.muli %scan3A_107, %mul3A_112 : i32
    %get3A_114 = arith.index_cast %mul3A_113 : i32 to index
    %get3A_115 = tpu.vector_load %arg5[%get3A_114] {strides = array<i32>} : memref<256xi32, #tpu.memory_space<vmem>>, vector<16xi32>,
    %mul3A_116 = arith.constant 10 : i32
    %mul3A_117 = vector.broadcast %mul3A_116 : i32 to vector<16xi32>
    %mul3A_118 = arith.muli %get3A_115, %mul3A_117 : vector<16xi32>
    %add3A_119 = arith.constant 0 : i32
    %add3A_120 = vector.broadcast %add3A_119 : i32 to vector<16xi32>
    %add3A_121 = arith.addi %mul3A_118, %add3A_120 : vector<16xi32>
    %gather3A_122 = tpu.vector_load_idx %arg6[%add3A_111, %add3A_121] : memref<256x80xf32, #tpu.memory_space<vmem>>[vector<16xi32>, vector<16xi32>], vector<16xf32>,
    %broadcast_in_dim3A_123 = arith.constant 0 : i32
    %broadcast_in_dim3A_124 = vector.broadcast %broadcast_in_dim3A_123 : i32 to vector<16xi32>
    tpu.vector_store_idx %arg7[%add3A_111, %broadcast_in_dim3A_124], %gather3A_122 : memref<256x10xf32, #tpu.memory_space<vmem>>[vector<16xi32>, vector<16xi32>], vector<16xf32>,
    %add3A_125 = arith.constant 1 : i32
    %add3A_126 = vector.broadcast %add3A_125 : i32 to vector<16xi32>
    %add3A_127 = arith.addi %mul3A_118, %add3A_126 : vector<16xi32>
    %gather3A_128 = tpu.vector_load_idx %arg6[%add3A_111, %add3A_127] : memref<256x80xf32, #tpu.memory_space<vmem>>[vector<16xi32>, vector<16xi32>], vector<16xf32>,
    %broadcast_in_dim3A_129 = arith.constant 1 : i32
    %broadcast_in_dim3A_130 = vector.broadcast %broadcast_in_dim3A_129 : i32 to vector<16xi32>
    tpu.vector_store_idx %arg7[%add3A_111, %broadcast_in_dim3A_130], %gather3A_128 : memref<256x10xf32, #tpu.memory_space<vmem>>[vector<16xi32>, vector<16xi32>], vector<16xf32>,
    %add3A_131 = arith.constant 2 : i32
    %add3A_132 = vector.broadcast %add3A_131 : i32 to vector<16xi32>
    %add3A_133 = arith.addi %mul3A_118, %add3A_132 : vector<16xi32>
    %gather3A_134 = tpu.vector_load_idx %arg6[%add3A_111, %add3A_133] : memref<256x80xf32, #tpu.memory_space<vmem>>[vector<16xi32>, vector<16xi32>], vector<16xf32>,
    %broadcast_in_dim3A_135 = arith.constant 2 : i32
    %broadcast_in_dim3A_136 = vector.broadcast %broadcast_in_dim3A_135 : i32 to vector<16xi32>
    tpu.vector_store_idx %arg7[%add3A_111, %broadcast_in_dim3A_136], %gather3A_134 : memref<256x10xf32, #tpu.memory_space<vmem>>[vector<16xi32>, vector<16xi32>], vector<16xf32>,
    %add3A_137 = arith.constant 3 : i32
    %add3A_138 = vector.broadcast %add3A_137 : i32 to vector<16xi32>
    %add3A_139 = arith.addi %mul3A_118, %add3A_138 : vector<16xi32>
    %gather3A_140 = tpu.vector_load_idx %arg6[%add3A_111, %add3A_139] : memref<256x80xf32, #tpu.memory_space<vmem>>[vector<16xi32>, vector<16xi32>], vector<16xf32>,
    %broadcast_in_dim3A_141 = arith.constant 3 : i32
    %broadcast_in_dim3A_142 = vector.broadcast %broadcast_in_dim3A_141 : i32 to vector<16xi32>
    tpu.vector_store_idx %arg7[%add3A_111, %broadcast_in_dim3A_142], %gather3A_140 : memref<256x10xf32, #tpu.memory_space<vmem>>[vector<16xi32>, vector<16xi32>], vector<16xf32>,
    %add3A_143 = arith.constant 4 : i32
    %add3A_144 = vector.broadcast %add3A_143 : i32 to vector<16xi32>
    %add3A_145 = arith.addi %mul3A_118, %add3A_144 : vector<16xi32>
    %gather3A_146 = tpu.vector_load_idx %arg6[%add3A_111, %add3A_145] : memref<256x80xf32, #tpu.memory_space<vmem>>[vector<16xi32>, vector<16xi32>], vector<16xf32>,
    %broadcast_in_dim3A_147 = arith.constant 4 : i32
    %broadcast_in_dim3A_148 = vector.broadcast %broadcast_in_dim3A_147 : i32 to vector<16xi32>
    tpu.vector_store_idx %arg7[%add3A_111, %broadcast_in_dim3A_148], %gather3A_146 : memref<256x10xf32, #tpu.memory_space<vmem>>[vector<16xi32>, vector<16xi32>], vector<16xf32>,
    %add3A_149 = arith.constant 5 : i32
    %add3A_150 = vector.broadcast %add3A_149 : i32 to vector<16xi32>
    %add3A_151 = arith.addi %mul3A_118, %add3A_150 : vector<16xi32>
    %gather3A_152 = tpu.vector_load_idx %arg6[%add3A_111, %add3A_151] : memref<256x80xf32, #tpu.memory_space<vmem>>[vector<16xi32>, vector<16xi32>], vector<16xf32>,
    %broadcast_in_dim3A_153 = arith.constant 5 : i32
    %broadcast_in_dim3A_154 = vector.broadcast %broadcast_in_dim3A_153 : i32 to vector<16xi32>
    tpu.vector_store_idx %arg7[%add3A_111, %broadcast_in_dim3A_154], %gather3A_152 : memref<256x10xf32, #tpu.memory_space<vmem>>[vector<16xi32>, vector<16xi32>], vector<16xf32>,
    %add3A_155 = arith.constant 6 : i32
    %add3A_156 = vector.broadcast %add3A_155 : i32 to vector<16xi32>
    %add3A_157 = arith.addi %mul3A_118, %add3A_156 : vector<16xi32>
    %gather3A_158 = tpu.vector_load_idx %arg6[%add3A_111, %add3A_157] : memref<256x80xf32, #tpu.memory_space<vmem>>[vector<16xi32>, vector<16xi32>], vector<16xf32>,
    %broadcast_in_dim3A_159 = arith.constant 6 : i32
    %broadcast_in_dim3A_160 = vector.broadcast %broadcast_in_dim3A_159 : i32 to vector<16xi32>
    tpu.vector_store_idx %arg7[%add3A_111, %broadcast_in_dim3A_160], %gather3A_158 : memref<256x10xf32, #tpu.memory_space<vmem>>[vector<16xi32>, vector<16xi32>], vector<16xf32>,
    %add3A_161 = arith.constant 7 : i32
    %add3A_162 = vector.broadcast %add3A_161 : i32 to vector<16xi32>
    %add3A_163 = arith.addi %mul3A_118, %add3A_162 : vector<16xi32>
    %gather3A_164 = tpu.vector_load_idx %arg6[%add3A_111, %add3A_163] : memref<256x80xf32, #tpu.memory_space<vmem>>[vector<16xi32>, vector<16xi32>], vector<16xf32>,
    %broadcast_in_dim3A_165 = arith.constant 7 : i32
    %broadcast_in_dim3A_166 = vector.broadcast %broadcast_in_dim3A_165 : i32 to vector<16xi32>
    tpu.vector_store_idx %arg7[%add3A_111, %broadcast_in_dim3A_166], %gather3A_164 : memref<256x10xf32, #tpu.memory_space<vmem>>[vector<16xi32>, vector<16xi32>], vector<16xf32>,
    %add3A_167 = arith.constant 8 : i32
    %add3A_168 = vector.broadcast %add3A_167 : i32 to vector<16xi32>
    %add3A_169 = arith.addi %mul3A_118, %add3A_168 : vector<16xi32>
    %gather3A_170 = tpu.vector_load_idx %arg6[%add3A_111, %add3A_169] : memref<256x80xf32, #tpu.memory_space<vmem>>[vector<16xi32>, vector<16xi32>], vector<16xf32>,
    %broadcast_in_dim3A_171 = arith.constant 8 : i32
    %broadcast_in_dim3A_172 = vector.broadcast %broadcast_in_dim3A_171 : i32 to vector<16xi32>
    tpu.vector_store_idx %arg7[%add3A_111, %broadcast_in_dim3A_172], %gather3A_170 : memref<256x10xf32, #tpu.memory_space<vmem>>[vector<16xi32>, vector<16xi32>], vector<16xf32>,
    %add3A_173 = arith.constant 9 : i32
    %add3A_174 = vector.broadcast %add3A_173 : i32 to vector<16xi32>
    %add3A_175 = arith.addi %mul3A_118, %add3A_174 : vector<16xi32>
    %gather3A_176 = tpu.vector_load_idx %arg6[%add3A_111, %add3A_175] : memref<256x80xf32, #tpu.memory_space<vmem>>[vector<16xi32>, vector<16xi32>], vector<16xf32>,
    %broadcast_in_dim3A_177 = arith.constant 9 : i32
    %broadcast_in_dim3A_178 = vector.broadcast %broadcast_in_dim3A_177 : i32 to vector<16xi32>
    tpu.vector_store_idx %arg7[%add3A_111, %broadcast_in_dim3A_178], %gather3A_176 : memref<256x10xf32, #tpu.memory_space<vmem>>[vector<16xi32>, vector<16xi32>], vector<16xf32>,
    %scan3A_179 = arith.constant 0 : i32
    %scan3A_180 = arith.constant 2 : i32
    %mul3A_181 = arith.constant 16 : i32
    %mul3A_182 = arith.muli %scan3A_180, %mul3A_181 : i32
    %add3A_183 = vector.broadcast %mul3A_182 : i32 to vector<16xi32>
    %add3A_184 = arith.addi %add3A_183, %iota3A : vector<16xi32>
    %mul3A_185 = arith.constant 16 : i32
    %mul3A_186 = arith.muli %scan3A_180, %mul3A_185 : i32
    %get3A_187 = arith.index_cast %mul3A_186 : i32 to index
    %get3A_188 = tpu.vector_load %arg5[%get3A_187] {strides = array<i32>} : memref<256xi32, #tpu.memory_space<vmem>>, vector<16xi32>,
    %mul3A_189 = arith.constant 10 : i32
    %mul3A_190 = vector.broadcast %mul3A_189 : i32 to vector<16xi32>
    %mul3A_191 = arith.muli %get3A_188, %mul3A_190 : vector<16xi32>
    %add3A_192 = arith.constant 0 : i32
    %add3A_193 = vector.broadcast %add3A_192 : i32 to vector<16xi32>
    %add3A_194 = arith.addi %mul3A_191, %add3A_193 : vector<16xi32>
    %gather3A_195 = tpu.vector_load_idx %arg6[%add3A_184, %add3A_194] : memref<256x80xf32, #tpu.memory_space<vmem>>[vector<16xi32>, vector<16xi32>], vector<16xf32>,
    %broadcast_in_dim3A_196 = arith.constant 0 : i32
    %broadcast_in_dim3A_197 = vector.broadcast %broadcast_in_dim3A_196 : i32 to vector<16xi32>
    tpu.vector_store_idx %arg7[%add3A_184, %broadcast_in_dim3A_197], %gather3A_195 : memref<256x10xf32, #tpu.memory_space<vmem>>[vector<16xi32>, vector<16xi32>], vector<16xf32>,
    %add3A_198 = arith.constant 1 : i32
    %add3A_199 = vector.broadcast %add3A_198 : i32 to vector<16xi32>
    %add3A_200 = arith.addi %mul3A_191, %add3A_199 : vector<16xi32>
    %gather3A_201 = tpu.vector_load_idx %arg6[%add3A_184, %add3A_200] : memref<256x80xf32, #tpu.memory_space<vmem>>[vector<16xi32>, vector<16xi32>], vector<16xf32>,
    %broadcast_in_dim3A_202 = arith.constant 1 : i32
    %broadcast_in_dim3A_203 = vector.broadcast %broadcast_in_dim3A_202 : i32 to vector<16xi32>
    tpu.vector_store_idx %arg7[%add3A_184, %broadcast_in_dim3A_203], %gather3A_201 : memref<256x10xf32, #tpu.memory_space<vmem>>[vector<16xi32>, vector<16xi32>], vector<16xf32>,
    %add3A_204 = arith.constant 2 : i32
    %add3A_205 = vector.broadcast %add3A_204 : i32 to vector<16xi32>
    %add3A_206 = arith.addi %mul3A_191, %add3A_205 : vector<16xi32>
    %gather3A_207 = tpu.vector_load_idx %arg6[%add3A_184, %add3A_206] : memref<256x80xf32, #tpu.memory_space<vmem>>[vector<16xi32>, vector<16xi32>], vector<16xf32>,
    %broadcast_in_dim3A_208 = arith.constant 2 : i32
    %broadcast_in_dim3A_209 = vector.broadcast %broadcast_in_dim3A_208 : i32 to vector<16xi32>
    tpu.vector_store_idx %arg7[%add3A_184, %broadcast_in_dim3A_209], %gather3A_207 : memref<256x10xf32, #tpu.memory_space<vmem>>[vector<16xi32>, vector<16xi32>], vector<16xf32>,
    %add3A_210 = arith.constant 3 : i32
    %add3A_211 = vector.broadcast %add3A_210 : i32 to vector<16xi32>
    %add3A_212 = arith.addi %mul3A_191, %add3A_211 : vector<16xi32>
    %gather3A_213 = tpu.vector_load_idx %arg6[%add3A_184, %add3A_212] : memref<256x80xf32, #tpu.memory_space<vmem>>[vector<16xi32>, vector<16xi32>], vector<16xf32>,
    %broadcast_in_dim3A_214 = arith.constant 3 : i32
    %broadcast_in_dim3A_215 = vector.broadcast %broadcast_in_dim3A_214 : i32 to vector<16xi32>
    tpu.vector_store_idx %arg7[%add3A_184, %broadcast_in_dim3A_215], %gather3A_213 : memref<256x10xf32, #tpu.memory_space<vmem>>[vector<16xi32>, vector<16xi32>], vector<16xf32>,
    %add3A_216 = arith.constant 4 : i32
    %add3A_217 = vector.broadcast %add3A_216 : i32 to vector<16xi32>
    %add3A_218 = arith.addi %mul3A_191, %add3A_217 : vector<16xi32>
    %gather3A_219 = tpu.vector_load_idx %arg6[%add3A_184, %add3A_218] : memref<256x80xf32, #tpu.memory_space<vmem>>[vector<16xi32>, vector<16xi32>], vector<16xf32>,
    %broadcast_in_dim3A_220 = arith.constant 4 : i32
    %broadcast_in_dim3A_221 = vector.broadcast %broadcast_in_dim3A_220 : i32 to vector<16xi32>
    tpu.vector_store_idx %arg7[%add3A_184, %broadcast_in_dim3A_221], %gather3A_219 : memref<256x10xf32, #tpu.memory_space<vmem>>[vector<16xi32>, vector<16xi32>], vector<16xf32>,
    %add3A_222 = arith.constant 5 : i32
    %add3A_223 = vector.broadcast %add3A_222 : i32 to vector<16xi32>
    %add3A_224 = arith.addi %mul3A_191, %add3A_223 : vector<16xi32>
    %gather3A_225 = tpu.vector_load_idx %arg6[%add3A_184, %add3A_224] : memref<256x80xf32, #tpu.memory_space<vmem>>[vector<16xi32>, vector<16xi32>], vector<16xf32>,
    %broadcast_in_dim3A_226 = arith.constant 5 : i32
    %broadcast_in_dim3A_227 = vector.broadcast %broadcast_in_dim3A_226 : i32 to vector<16xi32>
    tpu.vector_store_idx %arg7[%add3A_184, %broadcast_in_dim3A_227], %gather3A_225 : memref<256x10xf32, #tpu.memory_space<vmem>>[vector<16xi32>, vector<16xi32>], vector<16xf32>,
    %add3A_228 = arith.constant 6 : i32
    %add3A_229 = vector.broadcast %add3A_228 : i32 to vector<16xi32>
    %add3A_230 = arith.addi %mul3A_191, %add3A_229 : vector<16xi32>
    %gather3A_231 = tpu.vector_load_idx %arg6[%add3A_184, %add3A_230] : memref<256x80xf32, #tpu.memory_space<vmem>>[vector<16xi32>, vector<16xi32>], vector<16xf32>,
    %broadcast_in_dim3A_232 = arith.constant 6 : i32
    %broadcast_in_dim3A_233 = vector.broadcast %broadcast_in_dim3A_232 : i32 to vector<16xi32>
    tpu.vector_store_idx %arg7[%add3A_184, %broadcast_in_dim3A_233], %gather3A_231 : memref<256x10xf32, #tpu.memory_space<vmem>>[vector<16xi32>, vector<16xi32>], vector<16xf32>,
    %add3A_234 = arith.constant 7 : i32
    %add3A_235 = vector.broadcast %add3A_234 : i32 to vector<16xi32>
    %add3A_236 = arith.addi %mul3A_191, %add3A_235 : vector<16xi32>
    %gather3A_237 = tpu.vector_load_idx %arg6[%add3A_184, %add3A_236] : memref<256x80xf32, #tpu.memory_space<vmem>>[vector<16xi32>, vector<16xi32>], vector<16xf32>,
    %broadcast_in_dim3A_238 = arith.constant 7 : i32
    %broadcast_in_dim3A_239 = vector.broadcast %broadcast_in_dim3A_238 : i32 to vector<16xi32>
    tpu.vector_store_idx %arg7[%add3A_184, %broadcast_in_dim3A_239], %gather3A_237 : memref<256x10xf32, #tpu.memory_space<vmem>>[vector<16xi32>, vector<16xi32>], vector<16xf32>,
    %add3A_240 = arith.constant 8 : i32
    %add3A_241 = vector.broadcast %add3A_240 : i32 to vector<16xi32>
    %add3A_242 = arith.addi %mul3A_191, %add3A_241 : vector<16xi32>
    %gather3A_243 = tpu.vector_load_idx %arg6[%add3A_184, %add3A_242] : memref<256x80xf32, #tpu.memory_space<vmem>>[vector<16xi32>, vector<16xi32>], vector<16xf32>,
    %broadcast_in_dim3A_244 = arith.constant 8 : i32
    %broadcast_in_dim3A_245 = vector.broadcast %broadcast_in_dim3A_244 : i32 to vector<16xi32>
    tpu.vector_store_idx %arg7[%add3A_184, %broadcast_in_dim3A_245], %gather3A_243 : memref<256x10xf32, #tpu.memory_space<vmem>>[vector<16xi32>, vector<16xi32>], vector<16xf32>,
    %add3A_246 = arith.constant 9 : i32
    %add3A_247 = vector.broadcast %add3A_246 : i32 to vector<16xi32>
    %add3A_248 = arith.addi %mul3A_191, %add3A_247 : vector<16xi32>
    %gather3A_249 = tpu.vector_load_idx %arg6[%add3A_184, %add3A_248] : memref<256x80xf32, #tpu.memory_space<vmem>>[vector<16xi32>, vector<16xi32>], vector<16xf32>,
    %broadcast_in_dim3A_250 = arith.constant 9 : i32
    %broadcast_in_dim3A_251 = vector.broadcast %broadcast_in_dim3A_250 : i32 to vector<16xi32>
    tpu.vector_store_idx %arg7[%add3A_184, %broadcast_in_dim3A_251], %gather3A_249 : memref<256x10xf32, #tpu.memory_space<vmem>>[vector<16xi32>, vector<16xi32>], vector<16xf32>,
    %scan3A_252 = arith.constant 0 : i32
    %scan3A_253 = arith.constant 3 : i32
    %mul3A_254 = arith.constant 16 : i32
    %mul3A_255 = arith.muli %scan3A_253, %mul3A_254 : i32
    %add3A_256 = vector.broadcast %mul3A_255 : i32 to vector<16xi32>
    %add3A_257 = arith.addi %add3A_256, %iota3A : vector<16xi32>
    %mul3A_258 = arith.constant 16 : i32
    %mul3A_259 = arith.muli %scan3A_253, %mul3A_258 : i32
    %get3A_260 = arith.index_cast %mul3A_259 : i32 to index
    %get3A_261 = tpu.vector_load %arg5[%get3A_260] {strides = array<i32>} : memref<256xi32, #tpu.memory_space<vmem>>, vector<16xi32>,
    %mul3A_262 = arith.constant 10 : i32
    %mul3A_263 = vector.broadcast %mul3A_262 : i32 to vector<16xi32>
    %mul3A_264 = arith.muli %get3A_261, %mul3A_263 : vector<16xi32>
    %add3A_265 = arith.constant 0 : i32
    %add3A_266 = vector.broadcast %add3A_265 : i32 to vector<16xi32>
    %add3A_267 = arith.addi %mul3A_264, %add3A_266 : vector<16xi32>
    %gather3A_268 = tpu.vector_load_idx %arg6[%add3A_257, %add3A_267] : memref<256x80xf32, #tpu.memory_space<vmem>>[vector<16xi32>, vector<16xi32>], vector<16xf32>,
    %broadcast_in_dim3A_269 = arith.constant 0 : i32
    %broadcast_in_dim3A_270 = vector.broadcast %broadcast_in_dim3A_269 : i32 to vector<16xi32>
    tpu.vector_store_idx %arg7[%add3A_257, %broadcast_in_dim3A_270], %gather3A_268 : memref<256x10xf32, #tpu.memory_space<vmem>>[vector<16xi32>, vector<16xi32>], vector<16xf32>,
    %add3A_271 = arith.constant 1 : i32
    %add3A_272 = vector.broadcast %add3A_271 : i32 to vector<16xi32>
    %add3A_273 = arith.addi %mul3A_264, %add3A_272 : vector<16xi32>
    %gather3A_274 = tpu.vector_load_idx %arg6[%add3A_257, %add3A_273] : memref<256x80xf32, #tpu.memory_space<vmem>>[vector<16xi32>, vector<16xi32>], vector<16xf32>,
    %broadcast_in_dim3A_275 = arith.constant 1 : i32
    %broadcast_in_dim3A_276 = vector.broadcast %broadcast_in_dim3A_275 : i32 to vector<16xi32>
    tpu.vector_store_idx %arg7[%add3A_257, %broadcast_in_dim3A_276], %gather3A_274 : memref<256x10xf32, #tpu.memory_space<vmem>>[vector<16xi32>, vector<16xi32>], vector<16xf32>,
    %add3A_277 = arith.constant 2 : i32
    %add3A_278 = vector.broadcast %add3A_277 : i32 to vector<16xi32>
    %add3A_279 = arith.addi %mul3A_264, %add3A_278 : vector<16xi32>
    %gather3A_280 = tpu.vector_load_idx %arg6[%add3A_257, %add3A_279] : memref<256x80xf32, #tpu.memory_space<vmem>>[vector<16xi32>, vector<16xi32>], vector<16xf32>,
    %broadcast_in_dim3A_281 = arith.constant 2 : i32
    %broadcast_in_dim3A_282 = vector.broadcast %broadcast_in_dim3A_281 : i32 to vector<16xi32>
    tpu.vector_store_idx %arg7[%add3A_257, %broadcast_in_dim3A_282], %gather3A_280 : memref<256x10xf32, #tpu.memory_space<vmem>>[vector<16xi32>, vector<16xi32>], vector<16xf32>,
    %add3A_283 = arith.constant 3 : i32
    %add3A_284 = vector.broadcast %add3A_283 : i32 to vector<16xi32>
    %add3A_285 = arith.addi %mul3A_264, %add3A_284 : vector<16xi32>
    %gather3A_286 = tpu.vector_load_idx %arg6[%add3A_257, %add3A_285] : memref<256x80xf32, #tpu.memory_space<vmem>>[vector<16xi32>, vector<16xi32>], vector<16xf32>,
    %broadcast_in_dim3A_287 = arith.constant 3 : i32
    %broadcast_in_dim3A_288 = vector.broadcast %broadcast_in_dim3A_287 : i32 to vector<16xi32>
    tpu.vector_store_idx %arg7[%add3A_257, %broadcast_in_dim3A_288], %gather3A_286 : memref<256x10xf32, #tpu.memory_space<vmem>>[vector<16xi32>, vector<16xi32>], vector<16xf32>,
    %add3A_289 = arith.constant 4 : i32
    %add3A_290 = vector.broadcast %add3A_289 : i32 to vector<16xi32>
    %add3A_291 = arith.addi %mul3A_264, %add3A_290 : vector<16xi32>
    %gather3A_292 = tpu.vector_load_idx %arg6[%add3A_257, %add3A_291] : memref<256x80xf32, #tpu.memory_space<vmem>>[vector<16xi32>, vector<16xi32>], vector<16xf32>,
    %broadcast_in_dim3A_293 = arith.constant 4 : i32
    %broadcast_in_dim3A_294 = vector.broadcast %broadcast_in_dim3A_293 : i32 to vector<16xi32>
    tpu.vector_store_idx %arg7[%add3A_257, %broadcast_in_dim3A_294], %gather3A_292 : memref<256x10xf32, #tpu.memory_space<vmem>>[vector<16xi32>, vector<16xi32>], vector<16xf32>,
    %add3A_295 = arith.constant 5 : i32
    %add3A_296 = vector.broadcast %add3A_295 : i32 to vector<16xi32>
    %add3A_297 = arith.addi %mul3A_264, %add3A_296 : vector<16xi32>
    %gather3A_298 = tpu.vector_load_idx %arg6[%add3A_257, %add3A_297] : memref<256x80xf32, #tpu.memory_space<vmem>>[vector<16xi32>, vector<16xi32>], vector<16xf32>,
    %broadcast_in_dim3A_299 = arith.constant 5 : i32
    %broadcast_in_dim3A_300 = vector.broadcast %broadcast_in_dim3A_299 : i32 to vector<16xi32>
    tpu.vector_store_idx %arg7[%add3A_257, %broadcast_in_dim3A_300], %gather3A_298 : memref<256x10xf32, #tpu.memory_space<vmem>>[vector<16xi32>, vector<16xi32>], vector<16xf32>,
    %add3A_301 = arith.constant 6 : i32
    %add3A_302 = vector.broadcast %add3A_301 : i32 to vector<16xi32>
    %add3A_303 = arith.addi %mul3A_264, %add3A_302 : vector<16xi32>
    %gather3A_304 = tpu.vector_load_idx %arg6[%add3A_257, %add3A_303] : memref<256x80xf32, #tpu.memory_space<vmem>>[vector<16xi32>, vector<16xi32>], vector<16xf32>,
    %broadcast_in_dim3A_305 = arith.constant 6 : i32
    %broadcast_in_dim3A_306 = vector.broadcast %broadcast_in_dim3A_305 : i32 to vector<16xi32>
    tpu.vector_store_idx %arg7[%add3A_257, %broadcast_in_dim3A_306], %gather3A_304 : memref<256x10xf32, #tpu.memory_space<vmem>>[vector<16xi32>, vector<16xi32>], vector<16xf32>,
    %add3A_307 = arith.constant 7 : i32
    %add3A_308 = vector.broadcast %add3A_307 : i32 to vector<16xi32>
    %add3A_309 = arith.addi %mul3A_264, %add3A_308 : vector<16xi32>
    %gather3A_310 = tpu.vector_load_idx %arg6[%add3A_257, %add3A_309] : memref<256x80xf32, #tpu.memory_space<vmem>>[vector<16xi32>, vector<16xi32>], vector<16xf32>,
    %broadcast_in_dim3A_311 = arith.constant 7 : i32
    %broadcast_in_dim3A_312 = vector.broadcast %broadcast_in_dim3A_311 : i32 to vector<16xi32>
    tpu.vector_store_idx %arg7[%add3A_257, %broadcast_in_dim3A_312], %gather3A_310 : memref<256x10xf32, #tpu.memory_space<vmem>>[vector<16xi32>, vector<16xi32>], vector<16xf32>,
    %add3A_313 = arith.constant 8 : i32
    %add3A_314 = vector.broadcast %add3A_313 : i32 to vector<16xi32>
    %add3A_315 = arith.addi %mul3A_264, %add3A_314 : vector<16xi32>
    %gather3A_316 = tpu.vector_load_idx %arg6[%add3A_257, %add3A_315] : memref<256x80xf32, #tpu.memory_space<vmem>>[vector<16xi32>, vector<16xi32>], vector<16xf32>,
    %broadcast_in_dim3A_317 = arith.constant 8 : i32
    %broadcast_in_dim3A_318 = vector.broadcast %broadcast_in_dim3A_317 : i32 to vector<16xi32>
    tpu.vector_store_idx %arg7[%add3A_257, %broadcast_in_dim3A_318], %gather3A_316 : memref<256x10xf32, #tpu.memory_space<vmem>>[vector<16xi32>, vector<16xi32>], vector<16xf32>,
    %add3A_319 = arith.constant 9 : i32
    %add3A_320 = vector.broadcast %add3A_319 : i32 to vector<16xi32>
    %add3A_321 = arith.addi %mul3A_264, %add3A_320 : vector<16xi32>
    %gather3A_322 = tpu.vector_load_idx %arg6[%add3A_257, %add3A_321] : memref<256x80xf32, #tpu.memory_space<vmem>>[vector<16xi32>, vector<16xi32>], vector<16xf32>,
    %broadcast_in_dim3A_323 = arith.constant 9 : i32
    %broadcast_in_dim3A_324 = vector.broadcast %broadcast_in_dim3A_323 : i32 to vector<16xi32>
    tpu.vector_store_idx %arg7[%add3A_257, %broadcast_in_dim3A_324], %gather3A_322 : memref<256x10xf32, #tpu.memory_space<vmem>>[vector<16xi32>, vector<16xi32>], vector<16xf32>,
    %scan3A_325 = arith.constant 0 : i32
    %scan3A_326 = arith.constant 4 : i32
    %mul3A_327 = arith.constant 16 : i32
    %mul3A_328 = arith.muli %scan3A_326, %mul3A_327 : i32
    %add3A_329 = vector.broadcast %mul3A_328 : i32 to vector<16xi32>
    %add3A_330 = arith.addi %add3A_329, %iota3A : vector<16xi32>
    %mul3A_331 = arith.constant 16 : i32
    %mul3A_332 = arith.muli %scan3A_326, %mul3A_331 : i32
    %get3A_333 = arith.index_cast %mul3A_332 : i32 to index
    %get3A_334 = tpu.vector_load %arg5[%get3A_333] {strides = array<i32>} : memref<256xi32, #tpu.memory_space<vmem>>, vector<16xi32>,
    %mul3A_335 = arith.constant 10 : i32
    %mul3A_336 = vector.broadcast %mul3A_335 : i32 to vector<16xi32>
    %mul3A_337 = arith.muli %get3A_334, %mul3A_336 : vector<16xi32>
    %add3A_338 = arith.constant 0 : i32
    %add3A_339 = vector.broadcast %add3A_338 : i32 to vector<16xi32>
    %add3A_340 = arith.addi %mul3A_337, %add3A_339 : vector<16xi32>
    %gather3A_341 = tpu.vector_load_idx %arg6[%add3A_330, %add3A_340] : memref<256x80xf32, #tpu.memory_space<vmem>>[vector<16xi32>, vector<16xi32>], vector<16xf32>,
    %broadcast_in_dim3A_342 = arith.constant 0 : i32
    %broadcast_in_dim3A_343 = vector.broadcast %broadcast_in_dim3A_342 : i32 to vector<16xi32>
    tpu.vector_store_idx %arg7[%add3A_330, %broadcast_in_dim3A_343], %gather3A_341 : memref<256x10xf32, #tpu.memory_space<vmem>>[vector<16xi32>, vector<16xi32>], vector<16xf32>,
    %add3A_344 = arith.constant 1 : i32
    %add3A_345 = vector.broadcast %add3A_344 : i32 to vector<16xi32>
    %add3A_346 = arith.addi %mul3A_337, %add3A_345 : vector<16xi32>
    %gather3A_347 = tpu.vector_load_idx %arg6[%add3A_330, %add3A_346] : memref<256x80xf32, #tpu.memory_space<vmem>>[vector<16xi32>, vector<16xi32>], vector<16xf32>,
    %broadcast_in_dim3A_348 = arith.constant 1 : i32
    %broadcast_in_dim3A_349 = vector.broadcast %broadcast_in_dim3A_348 : i32 to vector<16xi32>
    tpu.vector_store_idx %arg7[%add3A_330, %broadcast_in_dim3A_349], %gather3A_347 : memref<256x10xf32, #tpu.memory_space<vmem>>[vector<16xi32>, vector<16xi32>], vector<16xf32>,
    %add3A_350 = arith.constant 2 : i32
    %add3A_351 = vector.broadcast %add3A_350 : i32 to vector<16xi32>
    %add3A_352 = arith.addi %mul3A_337, %add3A_351 : vector<16xi32>
    %gather3A_353 = tpu.vector_load_idx %arg6[%add3A_330, %add3A_352] : memref<256x80xf32, #tpu.memory_space<vmem>>[vector<16xi32>, vector<16xi32>], vector<16xf32>,
    %broadcast_in_dim3A_354 = arith.constant 2 : i32
    %broadcast_in_dim3A_355 = vector.broadcast %broadcast_in_dim3A_354 : i32 to vector<16xi32>
    tpu.vector_store_idx %arg7[%add3A_330, %broadcast_in_dim3A_355], %gather3A_353 : memref<256x10xf32, #tpu.memory_space<vmem>>[vector<16xi32>, vector<16xi32>], vector<16xf32>,
    %add3A_356 = arith.constant 3 : i32
    %add3A_357 = vector.broadcast %add3A_356 : i32 to vector<16xi32>
    %add3A_358 = arith.addi %mul3A_337, %add3A_357 : vector<16xi32>
    %gather3A_359 = tpu.vector_load_idx %arg6[%add3A_330, %add3A_358] : memref<256x80xf32, #tpu.memory_space<vmem>>[vector<16xi32>, vector<16xi32>], vector<16xf32>,
    %broadcast_in_dim3A_360 = arith.constant 3 : i32
    %broadcast_in_dim3A_361 = vector.broadcast %broadcast_in_dim3A_360 : i32 to vector<16xi32>
    tpu.vector_store_idx %arg7[%add3A_330, %broadcast_in_dim3A_361], %gather3A_359 : memref<256x10xf32, #tpu.memory_space<vmem>>[vector<16xi32>, vector<16xi32>], vector<16xf32>,
    %add3A_362 = arith.constant 4 : i32
    %add3A_363 = vector.broadcast %add3A_362 : i32 to vector<16xi32>
    %add3A_364 = arith.addi %mul3A_337, %add3A_363 : vector<16xi32>
    %gather3A_365 = tpu.vector_load_idx %arg6[%add3A_330, %add3A_364] : memref<256x80xf32, #tpu.memory_space<vmem>>[vector<16xi32>, vector<16xi32>], vector<16xf32>,
    %broadcast_in_dim3A_366 = arith.constant 4 : i32
    %broadcast_in_dim3A_367 = vector.broadcast %broadcast_in_dim3A_366 : i32 to vector<16xi32>
    tpu.vector_store_idx %arg7[%add3A_330, %broadcast_in_dim3A_367], %gather3A_365 : memref<256x10xf32, #tpu.memory_space<vmem>>[vector<16xi32>, vector<16xi32>], vector<16xf32>,
    %add3A_368 = arith.constant 5 : i32
    %add3A_369 = vector.broadcast %add3A_368 : i32 to vector<16xi32>
    %add3A_370 = arith.addi %mul3A_337, %add3A_369 : vector<16xi32>
    %gather3A_371 = tpu.vector_load_idx %arg6[%add3A_330, %add3A_370] : memref<256x80xf32, #tpu.memory_space<vmem>>[vector<16xi32>, vector<16xi32>], vector<16xf32>,
    %broadcast_in_dim3A_372 = arith.constant 5 : i32
    %broadcast_in_dim3A_373 = vector.broadcast %broadcast_in_dim3A_372 : i32 to vector<16xi32>
    tpu.vector_store_idx %arg7[%add3A_330, %broadcast_in_dim3A_373], %gather3A_371 : memref<256x10xf32, #tpu.memory_space<vmem>>[vector<16xi32>, vector<16xi32>], vector<16xf32>,
    %add3A_374 = arith.constant 6 : i32
    %add3A_375 = vector.broadcast %add3A_374 : i32 to vector<16xi32>
    %add3A_376 = arith.addi %mul3A_337, %add3A_375 : vector<16xi32>
    %gather3A_377 = tpu.vector_load_idx %arg6[%add3A_330, %add3A_376] : memref<256x80xf32, #tpu.memory_space<vmem>>[vector<16xi32>, vector<16xi32>], vector<16xf32>,
    %broadcast_in_dim3A_378 = arith.constant 6 : i32
    %broadcast_in_dim3A_379 = vector.broadcast %broadcast_in_dim3A_378 : i32 to vector<16xi32>
    tpu.vector_store_idx %arg7[%add3A_330, %broadcast_in_dim3A_379], %gather3A_377 : memref<256x10xf32, #tpu.memory_space<vmem>>[vector<16xi32>, vector<16xi32>], vector<16xf32>,
    %add3A_380 = arith.constant 7 : i32
    %add3A_381 = vector.broadcast %add3A_380 : i32 to vector<16xi32>
    %add3A_382 = arith.addi %mul3A_337, %add3A_381 : vector<16xi32>
    %gather3A_383 = tpu.vector_load_idx %arg6[%add3A_330, %add3A_382] : memref<256x80xf32, #tpu.memory_space<vmem>>[vector<16xi32>, vector<16xi32>], vector<16xf32>,
    %broadcast_in_dim3A_384 = arith.constant 7 : i32
    %broadcast_in_dim3A_385 = vector.broadcast %broadcast_in_dim3A_384 : i32 to vector<16xi32>
    tpu.vector_store_idx %arg7[%add3A_330, %broadcast_in_dim3A_385], %gather3A_383 : memref<256x10xf32, #tpu.memory_space<vmem>>[vector<16xi32>, vector<16xi32>], vector<16xf32>,
    %add3A_386 = arith.constant 8 : i32
    %add3A_387 = vector.broadcast %add3A_386 : i32 to vector<16xi32>
    %add3A_388 = arith.addi %mul3A_337, %add3A_387 : vector<16xi32>
    %gather3A_389 = tpu.vector_load_idx %arg6[%add3A_330, %add3A_388] : memref<256x80xf32, #tpu.memory_space<vmem>>[vector<16xi32>, vector<16xi32>], vector<16xf32>,
    %broadcast_in_dim3A_390 = arith.constant 8 : i32
    %broadcast_in_dim3A_391 = vector.broadcast %broadcast_in_dim3A_390 : i32 to vector<16xi32>
    tpu.vector_store_idx %arg7[%add3A_330, %broadcast_in_dim3A_391], %gather3A_389 : memref<256x10xf32, #tpu.memory_space<vmem>>[vector<16xi32>, vector<16xi32>], vector<16xf32>,
    %add3A_392 = arith.constant 9 : i32
    %add3A_393 = vector.broadcast %add3A_392 : i32 to vector<16xi32>
    %add3A_394 = arith.addi %mul3A_337, %add3A_393 : vector<16xi32>
    %gather3A_395 = tpu.vector_load_idx %arg6[%add3A_330, %add3A_394] : memref<256x80xf32, #tpu.memory_space<vmem>>[vector<16xi32>, vector<16xi32>], vector<16xf32>,
    %broadcast_in_dim3A_396 = arith.constant 9 : i32
    %broadcast_in_dim3A_397 = vector.broadcast %broadcast_in_dim3A_396 : i32 to vector<16xi32>
    tpu.vector_store_idx %arg7[%add3A_330, %broadcast_in_dim3A_397], %gather3A_395 : memref<256x10xf32, #tpu.memory_space<vmem>>[vector<16xi32>, vector<16xi32>], vector<16xf32>,
    %scan3A_398 = arith.constant 0 : i32
    %scan3A_399 = arith.constant 5 : i32
    %mul3A_400 = arith.constant 16 : i32
    %mul3A_401 = arith.muli %scan3A_399, %mul3A_400 : i32
    %add3A_402 = vector.broadcast %mul3A_401 : i32 to vector<16xi32>
    %add3A_403 = arith.addi %add3A_402, %iota3A : vector<16xi32>
    %mul3A_404 = arith.constant 16 : i32
    %mul3A_405 = arith.muli %scan3A_399, %mul3A_404 : i32
    %get3A_406 = arith.index_cast %mul3A_405 : i32 to index
    %get3A_407 = tpu.vector_load %arg5[%get3A_406] {strides = array<i32>} : memref<256xi32, #tpu.memory_space<vmem>>, vector<16xi32>,
    %mul3A_408 = arith.constant 10 : i32
    %mul3A_409 = vector.broadcast %mul3A_408 : i32 to vector<16xi32>
    %mul3A_410 = arith.muli %get3A_407, %mul3A_409 : vector<16xi32>
    %add3A_411 = arith.constant 0 : i32
    %add3A_412 = vector.broadcast %add3A_411 : i32 to vector<16xi32>
    %add3A_413 = arith.addi %mul3A_410, %add3A_412 : vector<16xi32>
    %gather3A_414 = tpu.vector_load_idx %arg6[%add3A_403, %add3A_413] : memref<256x80xf32, #tpu.memory_space<vmem>>[vector<16xi32>, vector<16xi32>], vector<16xf32>,
    %broadcast_in_dim3A_415 = arith.constant 0 : i32
    %broadcast_in_dim3A_416 = vector.broadcast %broadcast_in_dim3A_415 : i32 to vector<16xi32>
    tpu.vector_store_idx %arg7[%add3A_403, %broadcast_in_dim3A_416], %gather3A_414 : memref<256x10xf32, #tpu.memory_space<vmem>>[vector<16xi32>, vector<16xi32>], vector<16xf32>,
    %add3A_417 = arith.constant 1 : i32
    %add3A_418 = vector.broadcast %add3A_417 : i32 to vector<16xi32>
    %add3A_419 = arith.addi %mul3A_410, %add3A_418 : vector<16xi32>
    %gather3A_420 = tpu.vector_load_idx %arg6[%add3A_403, %add3A_419] : memref<256x80xf32, #tpu.memory_space<vmem>>[vector<16xi32>, vector<16xi32>], vector<16xf32>,
    %broadcast_in_dim3A_421 = arith.constant 1 : i32
    %broadcast_in_dim3A_422 = vector.broadcast %broadcast_in_dim3A_421 : i32 to vector<16xi32>
    tpu.vector_store_idx %arg7[%add3A_403, %broadcast_in_dim3A_422], %gather3A_420 : memref<256x10xf32, #tpu.memory_space<vmem>>[vector<16xi32>, vector<16xi32>], vector<16xf32>,
    %add3A_423 = arith.constant 2 : i32
    %add3A_424 = vector.broadcast %add3A_423 : i32 to vector<16xi32>
    %add3A_425 = arith.addi %mul3A_410, %add3A_424 : vector<16xi32>
    %gather3A_426 = tpu.vector_load_idx %arg6[%add3A_403, %add3A_425] : memref<256x80xf32, #tpu.memory_space<vmem>>[vector<16xi32>, vector<16xi32>], vector<16xf32>,
    %broadcast_in_dim3A_427 = arith.constant 2 : i32
    %broadcast_in_dim3A_428 = vector.broadcast %broadcast_in_dim3A_427 : i32 to vector<16xi32>
    tpu.vector_store_idx %arg7[%add3A_403, %broadcast_in_dim3A_428], %gather3A_426 : memref<256x10xf32, #tpu.memory_space<vmem>>[vector<16xi32>, vector<16xi32>], vector<16xf32>,
    %add3A_429 = arith.constant 3 : i32
    %add3A_430 = vector.broadcast %add3A_429 : i32 to vector<16xi32>
    %add3A_431 = arith.addi %mul3A_410, %add3A_430 : vector<16xi32>
    %gather3A_432 = tpu.vector_load_idx %arg6[%add3A_403, %add3A_431] : memref<256x80xf32, #tpu.memory_space<vmem>>[vector<16xi32>, vector<16xi32>], vector<16xf32>,
    %broadcast_in_dim3A_433 = arith.constant 3 : i32
    %broadcast_in_dim3A_434 = vector.broadcast %broadcast_in_dim3A_433 : i32 to vector<16xi32>
    tpu.vector_store_idx %arg7[%add3A_403, %broadcast_in_dim3A_434], %gather3A_432 : memref<256x10xf32, #tpu.memory_space<vmem>>[vector<16xi32>, vector<16xi32>], vector<16xf32>,
    %add3A_435 = arith.constant 4 : i32
    %add3A_436 = vector.broadcast %add3A_435 : i32 to vector<16xi32>
    %add3A_437 = arith.addi %mul3A_410, %add3A_436 : vector<16xi32>
    %gather3A_438 = tpu.vector_load_idx %arg6[%add3A_403, %add3A_437] : memref<256x80xf32, #tpu.memory_space<vmem>>[vector<16xi32>, vector<16xi32>], vector<16xf32>,
    %broadcast_in_dim3A_439 = arith.constant 4 : i32
    %broadcast_in_dim3A_440 = vector.broadcast %broadcast_in_dim3A_439 : i32 to vector<16xi32>
    tpu.vector_store_idx %arg7[%add3A_403, %broadcast_in_dim3A_440], %gather3A_438 : memref<256x10xf32, #tpu.memory_space<vmem>>[vector<16xi32>, vector<16xi32>], vector<16xf32>,
    %add3A_441 = arith.constant 5 : i32
    %add3A_442 = vector.broadcast %add3A_441 : i32 to vector<16xi32>
    %add3A_443 = arith.addi %mul3A_410, %add3A_442 : vector<16xi32>
    %gather3A_444 = tpu.vector_load_idx %arg6[%add3A_403, %add3A_443] : memref<256x80xf32, #tpu.memory_space<vmem>>[vector<16xi32>, vector<16xi32>], vector<16xf32>,
    %broadcast_in_dim3A_445 = arith.constant 5 : i32
    %broadcast_in_dim3A_446 = vector.broadcast %broadcast_in_dim3A_445 : i32 to vector<16xi32>
    tpu.vector_store_idx %arg7[%add3A_403, %broadcast_in_dim3A_446], %gather3A_444 : memref<256x10xf32, #tpu.memory_space<vmem>>[vector<16xi32>, vector<16xi32>], vector<16xf32>,
    %add3A_447 = arith.constant 6 : i32
    %add3A_448 = vector.broadcast %add3A_447 : i32 to vector<16xi32>
    %add3A_449 = arith.addi %mul3A_410, %add3A_448 : vector<16xi32>
    %gather3A_450 = tpu.vector_load_idx %arg6[%add3A_403, %add3A_449] : memref<256x80xf32, #tpu.memory_space<vmem>>[vector<16xi32>, vector<16xi32>], vector<16xf32>,
    %broadcast_in_dim3A_451 = arith.constant 6 : i32
    %broadcast_in_dim3A_452 = vector.broadcast %broadcast_in_dim3A_451 : i32 to vector<16xi32>
    tpu.vector_store_idx %arg7[%add3A_403, %broadcast_in_dim3A_452], %gather3A_450 : memref<256x10xf32, #tpu.memory_space<vmem>>[vector<16xi32>, vector<16xi32>], vector<16xf32>,
    %add3A_453 = arith.constant 7 : i32
    %add3A_454 = vector.broadcast %add3A_453 : i32 to vector<16xi32>
    %add3A_455 = arith.addi %mul3A_410, %add3A_454 : vector<16xi32>
    %gather3A_456 = tpu.vector_load_idx %arg6[%add3A_403, %add3A_455] : memref<256x80xf32, #tpu.memory_space<vmem>>[vector<16xi32>, vector<16xi32>], vector<16xf32>,
    %broadcast_in_dim3A_457 = arith.constant 7 : i32
    %broadcast_in_dim3A_458 = vector.broadcast %broadcast_in_dim3A_457 : i32 to vector<16xi32>
    tpu.vector_store_idx %arg7[%add3A_403, %broadcast_in_dim3A_458], %gather3A_456 : memref<256x10xf32, #tpu.memory_space<vmem>>[vector<16xi32>, vector<16xi32>], vector<16xf32>,
    %add3A_459 = arith.constant 8 : i32
    %add3A_460 = vector.broadcast %add3A_459 : i32 to vector<16xi32>
    %add3A_461 = arith.addi %mul3A_410, %add3A_460 : vector<16xi32>
    %gather3A_462 = tpu.vector_load_idx %arg6[%add3A_403, %add3A_461] : memref<256x80xf32, #tpu.memory_space<vmem>>[vector<16xi32>, vector<16xi32>], vector<16xf32>,
    %broadcast_in_dim3A_463 = arith.constant 8 : i32
    %broadcast_in_dim3A_464 = vector.broadcast %broadcast_in_dim3A_463 : i32 to vector<16xi32>
    tpu.vector_store_idx %arg7[%add3A_403, %broadcast_in_dim3A_464], %gather3A_462 : memref<256x10xf32, #tpu.memory_space<vmem>>[vector<16xi32>, vector<16xi32>], vector<16xf32>,
    %add3A_465 = arith.constant 9 : i32
    %add3A_466 = vector.broadcast %add3A_465 : i32 to vector<16xi32>
    %add3A_467 = arith.addi %mul3A_410, %add3A_466 : vector<16xi32>
    %gather3A_468 = tpu.vector_load_idx %arg6[%add3A_403, %add3A_467] : memref<256x80xf32, #tpu.memory_space<vmem>>[vector<16xi32>, vector<16xi32>], vector<16xf32>,
    %broadcast_in_dim3A_469 = arith.constant 9 : i32
    %broadcast_in_dim3A_470 = vector.broadcast %broadcast_in_dim3A_469 : i32 to vector<16xi32>
    tpu.vector_store_idx %arg7[%add3A_403, %broadcast_in_dim3A_470], %gather3A_468 : memref<256x10xf32, #tpu.memory_space<vmem>>[vector<16xi32>, vector<16xi32>], vector<16xf32>,
    %scan3A_471 = arith.constant 0 : i32
    %scan3A_472 = arith.constant 6 : i32
    %mul3A_473 = arith.constant 16 : i32
    %mul3A_474 = arith.muli %scan3A_472, %mul3A_473 : i32
    %add3A_475 = vector.broadcast %mul3A_474 : i32 to vector<16xi32>
    %add3A_476 = arith.addi %add3A_475, %iota3A : vector<16xi32>
    %mul3A_477 = arith.constant 16 : i32
    %mul3A_478 = arith.muli %scan3A_472, %mul3A_477 : i32
    %get3A_479 = arith.index_cast %mul3A_478 : i32 to index
    %get3A_480 = tpu.vector_load %arg5[%get3A_479] {strides = array<i32>} : memref<256xi32, #tpu.memory_space<vmem>>, vector<16xi32>,
    %mul3A_481 = arith.constant 10 : i32
    %mul3A_482 = vector.broadcast %mul3A_481 : i32 to vector<16xi32>
    %mul3A_483 = arith.muli %get3A_480, %mul3A_482 : vector<16xi32>
    %add3A_484 = arith.constant 0 : i32
    %add3A_485 = vector.broadcast %add3A_484 : i32 to vector<16xi32>
    %add3A_486 = arith.addi %mul3A_483, %add3A_485 : vector<16xi32>
    %gather3A_487 = tpu.vector_load_idx %arg6[%add3A_476, %add3A_486] : memref<256x80xf32, #tpu.memory_space<vmem>>[vector<16xi32>, vector<16xi32>], vector<16xf32>,
    %broadcast_in_dim3A_488 = arith.constant 0 : i32
    %broadcast_in_dim3A_489 = vector.broadcast %broadcast_in_dim3A_488 : i32 to vector<16xi32>
    tpu.vector_store_idx %arg7[%add3A_476, %broadcast_in_dim3A_489], %gather3A_487 : memref<256x10xf32, #tpu.memory_space<vmem>>[vector<16xi32>, vector<16xi32>], vector<16xf32>,
    %add3A_490 = arith.constant 1 : i32
    %add3A_491 = vector.broadcast %add3A_490 : i32 to vector<16xi32>
    %add3A_492 = arith.addi %mul3A_483, %add3A_491 : vector<16xi32>
    %gather3A_493 = tpu.vector_load_idx %arg6[%add3A_476, %add3A_492] : memref<256x80xf32, #tpu.memory_space<vmem>>[vector<16xi32>, vector<16xi32>], vector<16xf32>,
    %broadcast_in_dim3A_494 = arith.constant 1 : i32
    %broadcast_in_dim3A_495 = vector.broadcast %broadcast_in_dim3A_494 : i32 to vector<16xi32>
    tpu.vector_store_idx %arg7[%add3A_476, %broadcast_in_dim3A_495], %gather3A_493 : memref<256x10xf32, #tpu.memory_space<vmem>>[vector<16xi32>, vector<16xi32>], vector<16xf32>,
    %add3A_496 = arith.constant 2 : i32
    %add3A_497 = vector.broadcast %add3A_496 : i32 to vector<16xi32>
    %add3A_498 = arith.addi %mul3A_483, %add3A_497 : vector<16xi32>
    %gather3A_499 = tpu.vector_load_idx %arg6[%add3A_476, %add3A_498] : memref<256x80xf32, #tpu.memory_space<vmem>>[vector<16xi32>, vector<16xi32>], vector<16xf32>,
    %broadcast_in_dim3A_500 = arith.constant 2 : i32
    %broadcast_in_dim3A_501 = vector.broadcast %broadcast_in_dim3A_500 : i32 to vector<16xi32>
    tpu.vector_store_idx %arg7[%add3A_476, %broadcast_in_dim3A_501], %gather3A_499 : memref<256x10xf32, #tpu.memory_space<vmem>>[vector<16xi32>, vector<16xi32>], vector<16xf32>,
    %add3A_502 = arith.constant 3 : i32
    %add3A_503 = vector.broadcast %add3A_502 : i32 to vector<16xi32>
    %add3A_504 = arith.addi %mul3A_483, %add3A_503 : vector<16xi32>
    %gather3A_505 = tpu.vector_load_idx %arg6[%add3A_476, %add3A_504] : memref<256x80xf32, #tpu.memory_space<vmem>>[vector<16xi32>, vector<16xi32>], vector<16xf32>,
    %broadcast_in_dim3A_506 = arith.constant 3 : i32
    %broadcast_in_dim3A_507 = vector.broadcast %broadcast_in_dim3A_506 : i32 to vector<16xi32>
    tpu.vector_store_idx %arg7[%add3A_476, %broadcast_in_dim3A_507], %gather3A_505 : memref<256x10xf32, #tpu.memory_space<vmem>>[vector<16xi32>, vector<16xi32>], vector<16xf32>,
    %add3A_508 = arith.constant 4 : i32
    %add3A_509 = vector.broadcast %add3A_508 : i32 to vector<16xi32>
    %add3A_510 = arith.addi %mul3A_483, %add3A_509 : vector<16xi32>
    %gather3A_511 = tpu.vector_load_idx %arg6[%add3A_476, %add3A_510] : memref<256x80xf32, #tpu.memory_space<vmem>>[vector<16xi32>, vector<16xi32>], vector<16xf32>,
    %broadcast_in_dim3A_512 = arith.constant 4 : i32
    %broadcast_in_dim3A_513 = vector.broadcast %broadcast_in_dim3A_512 : i32 to vector<16xi32>
    tpu.vector_store_idx %arg7[%add3A_476, %broadcast_in_dim3A_513], %gather3A_511 : memref<256x10xf32, #tpu.memory_space<vmem>>[vector<16xi32>, vector<16xi32>], vector<16xf32>,
    %add3A_514 = arith.constant 5 : i32
    %add3A_515 = vector.broadcast %add3A_514 : i32 to vector<16xi32>
    %add3A_516 = arith.addi %mul3A_483, %add3A_515 : vector<16xi32>
    %gather3A_517 = tpu.vector_load_idx %arg6[%add3A_476, %add3A_516] : memref<256x80xf32, #tpu.memory_space<vmem>>[vector<16xi32>, vector<16xi32>], vector<16xf32>,
    %broadcast_in_dim3A_518 = arith.constant 5 : i32
    %broadcast_in_dim3A_519 = vector.broadcast %broadcast_in_dim3A_518 : i32 to vector<16xi32>
    tpu.vector_store_idx %arg7[%add3A_476, %broadcast_in_dim3A_519], %gather3A_517 : memref<256x10xf32, #tpu.memory_space<vmem>>[vector<16xi32>, vector<16xi32>], vector<16xf32>,
    %add3A_520 = arith.constant 6 : i32
    %add3A_521 = vector.broadcast %add3A_520 : i32 to vector<16xi32>
    %add3A_522 = arith.addi %mul3A_483, %add3A_521 : vector<16xi32>
    %gather3A_523 = tpu.vector_load_idx %arg6[%add3A_476, %add3A_522] : memref<256x80xf32, #tpu.memory_space<vmem>>[vector<16xi32>, vector<16xi32>], vector<16xf32>,
    %broadcast_in_dim3A_524 = arith.constant 6 : i32
    %broadcast_in_dim3A_525 = vector.broadcast %broadcast_in_dim3A_524 : i32 to vector<16xi32>
    tpu.vector_store_idx %arg7[%add3A_476, %broadcast_in_dim3A_525], %gather3A_523 : memref<256x10xf32, #tpu.memory_space<vmem>>[vector<16xi32>, vector<16xi32>], vector<16xf32>,
    %add3A_526 = arith.constant 7 : i32
    %add3A_527 = vector.broadcast %add3A_526 : i32 to vector<16xi32>
    %add3A_528 = arith.addi %mul3A_483, %add3A_527 : vector<16xi32>
    %gather3A_529 = tpu.vector_load_idx %arg6[%add3A_476, %add3A_528] : memref<256x80xf32, #tpu.memory_space<vmem>>[vector<16xi32>, vector<16xi32>], vector<16xf32>,
    %broadcast_in_dim3A_530 = arith.constant 7 : i32
    %broadcast_in_dim3A_531 = vector.broadcast %broadcast_in_dim3A_530 : i32 to vector<16xi32>
    tpu.vector_store_idx %arg7[%add3A_476, %broadcast_in_dim3A_531], %gather3A_529 : memref<256x10xf32, #tpu.memory_space<vmem>>[vector<16xi32>, vector<16xi32>], vector<16xf32>,
    %add3A_532 = arith.constant 8 : i32
    %add3A_533 = vector.broadcast %add3A_532 : i32 to vector<16xi32>
    %add3A_534 = arith.addi %mul3A_483, %add3A_533 : vector<16xi32>
    %gather3A_535 = tpu.vector_load_idx %arg6[%add3A_476, %add3A_534] : memref<256x80xf32, #tpu.memory_space<vmem>>[vector<16xi32>, vector<16xi32>], vector<16xf32>,
    %broadcast_in_dim3A_536 = arith.constant 8 : i32
    %broadcast_in_dim3A_537 = vector.broadcast %broadcast_in_dim3A_536 : i32 to vector<16xi32>
    tpu.vector_store_idx %arg7[%add3A_476, %broadcast_in_dim3A_537], %gather3A_535 : memref<256x10xf32, #tpu.memory_space<vmem>>[vector<16xi32>, vector<16xi32>], vector<16xf32>,
    %add3A_538 = arith.constant 9 : i32
    %add3A_539 = vector.broadcast %add3A_538 : i32 to vector<16xi32>
    %add3A_540 = arith.addi %mul3A_483, %add3A_539 : vector<16xi32>
    %gather3A_541 = tpu.vector_load_idx %arg6[%add3A_476, %add3A_540] : memref<256x80xf32, #tpu.memory_space<vmem>>[vector<16xi32>, vector<16xi32>], vector<16xf32>,
    %broadcast_in_dim3A_542 = arith.constant 9 : i32
    %broadcast_in_dim3A_543 = vector.broadcast %broadcast_in_dim3A_542 : i32 to vector<16xi32>
    tpu.vector_store_idx %arg7[%add3A_476, %broadcast_in_dim3A_543], %gather3A_541 : memref<256x10xf32, #tpu.memory_space<vmem>>[vector<16xi32>, vector<16xi32>], vector<16xf32>,
    %scan3A_544 = arith.constant 0 : i32
    %scan3A_545 = arith.constant 7 : i32
    %mul3A_546 = arith.constant 16 : i32
    %mul3A_547 = arith.muli %scan3A_545, %mul3A_546 : i32
    %add3A_548 = vector.broadcast %mul3A_547 : i32 to vector<16xi32>
    %add3A_549 = arith.addi %add3A_548, %iota3A : vector<16xi32>
    %mul3A_550 = arith.constant 16 : i32
    %mul3A_551 = arith.muli %scan3A_545, %mul3A_550 : i32
    %get3A_552 = arith.index_cast %mul3A_551 : i32 to index
    %get3A_553 = tpu.vector_load %arg5[%get3A_552] {strides = array<i32>} : memref<256xi32, #tpu.memory_space<vmem>>, vector<16xi32>,
    %mul3A_554 = arith.constant 10 : i32
    %mul3A_555 = vector.broadcast %mul3A_554 : i32 to vector<16xi32>
    %mul3A_556 = arith.muli %get3A_553, %mul3A_555 : vector<16xi32>
    %add3A_557 = arith.constant 0 : i32
    %add3A_558 = vector.broadcast %add3A_557 : i32 to vector<16xi32>
    %add3A_559 = arith.addi %mul3A_556, %add3A_558 : vector<16xi32>
    %gather3A_560 = tpu.vector_load_idx %arg6[%add3A_549, %add3A_559] : memref<256x80xf32, #tpu.memory_space<vmem>>[vector<16xi32>, vector<16xi32>], vector<16xf32>,
    %broadcast_in_dim3A_561 = arith.constant 0 : i32
    %broadcast_in_dim3A_562 = vector.broadcast %broadcast_in_dim3A_561 : i32 to vector<16xi32>
    tpu.vector_store_idx %arg7[%add3A_549, %broadcast_in_dim3A_562], %gather3A_560 : memref<256x10xf32, #tpu.memory_space<vmem>>[vector<16xi32>, vector<16xi32>], vector<16xf32>,
    %add3A_563 = arith.constant 1 : i32
    %add3A_564 = vector.broadcast %add3A_563 : i32 to vector<16xi32>
    %add3A_565 = arith.addi %mul3A_556, %add3A_564 : vector<16xi32>
    %gather3A_566 = tpu.vector_load_idx %arg6[%add3A_549, %add3A_565] : memref<256x80xf32, #tpu.memory_space<vmem>>[vector<16xi32>, vector<16xi32>], vector<16xf32>,
    %broadcast_in_dim3A_567 = arith.constant 1 : i32
    %broadcast_in_dim3A_568 = vector.broadcast %broadcast_in_dim3A_567 : i32 to vector<16xi32>
    tpu.vector_store_idx %arg7[%add3A_549, %broadcast_in_dim3A_568], %gather3A_566 : memref<256x10xf32, #tpu.memory_space<vmem>>[vector<16xi32>, vector<16xi32>], vector<16xf32>,
    %add3A_569 = arith.constant 2 : i32
    %add3A_570 = vector.broadcast %add3A_569 : i32 to vector<16xi32>
    %add3A_571 = arith.addi %mul3A_556, %add3A_570 : vector<16xi32>
    %gather3A_572 = tpu.vector_load_idx %arg6[%add3A_549, %add3A_571] : memref<256x80xf32, #tpu.memory_space<vmem>>[vector<16xi32>, vector<16xi32>], vector<16xf32>,
    %broadcast_in_dim3A_573 = arith.constant 2 : i32
    %broadcast_in_dim3A_574 = vector.broadcast %broadcast_in_dim3A_573 : i32 to vector<16xi32>
    tpu.vector_store_idx %arg7[%add3A_549, %broadcast_in_dim3A_574], %gather3A_572 : memref<256x10xf32, #tpu.memory_space<vmem>>[vector<16xi32>, vector<16xi32>], vector<16xf32>,
    %add3A_575 = arith.constant 3 : i32
    %add3A_576 = vector.broadcast %add3A_575 : i32 to vector<16xi32>
    %add3A_577 = arith.addi %mul3A_556, %add3A_576 : vector<16xi32>
    %gather3A_578 = tpu.vector_load_idx %arg6[%add3A_549, %add3A_577] : memref<256x80xf32, #tpu.memory_space<vmem>>[vector<16xi32>, vector<16xi32>], vector<16xf32>,
    %broadcast_in_dim3A_579 = arith.constant 3 : i32
    %broadcast_in_dim3A_580 = vector.broadcast %broadcast_in_dim3A_579 : i32 to vector<16xi32>
    tpu.vector_store_idx %arg7[%add3A_549, %broadcast_in_dim3A_580], %gather3A_578 : memref<256x10xf32, #tpu.memory_space<vmem>>[vector<16xi32>, vector<16xi32>], vector<16xf32>,
    %add3A_581 = arith.constant 4 : i32
    %add3A_582 = vector.broadcast %add3A_581 : i32 to vector<16xi32>
    %add3A_583 = arith.addi %mul3A_556, %add3A_582 : vector<16xi32>
    %gather3A_584 = tpu.vector_load_idx %arg6[%add3A_549, %add3A_583] : memref<256x80xf32, #tpu.memory_space<vmem>>[vector<16xi32>, vector<16xi32>], vector<16xf32>,
    %broadcast_in_dim3A_585 = arith.constant 4 : i32
    %broadcast_in_dim3A_586 = vector.broadcast %broadcast_in_dim3A_585 : i32 to vector<16xi32>
    tpu.vector_store_idx %arg7[%add3A_549, %broadcast_in_dim3A_586], %gather3A_584 : memref<256x10xf32, #tpu.memory_space<vmem>>[vector<16xi32>, vector<16xi32>], vector<16xf32>,
    %add3A_587 = arith.constant 5 : i32
    %add3A_588 = vector.broadcast %add3A_587 : i32 to vector<16xi32>
    %add3A_589 = arith.addi %mul3A_556, %add3A_588 : vector<16xi32>
    %gather3A_590 = tpu.vector_load_idx %arg6[%add3A_549, %add3A_589] : memref<256x80xf32, #tpu.memory_space<vmem>>[vector<16xi32>, vector<16xi32>], vector<16xf32>,
    %broadcast_in_dim3A_591 = arith.constant 5 : i32
    %broadcast_in_dim3A_592 = vector.broadcast %broadcast_in_dim3A_591 : i32 to vector<16xi32>
    tpu.vector_store_idx %arg7[%add3A_549, %broadcast_in_dim3A_592], %gather3A_590 : memref<256x10xf32, #tpu.memory_space<vmem>>[vector<16xi32>, vector<16xi32>], vector<16xf32>,
    %add3A_593 = arith.constant 6 : i32
    %add3A_594 = vector.broadcast %add3A_593 : i32 to vector<16xi32>
    %add3A_595 = arith.addi %mul3A_556, %add3A_594 : vector<16xi32>
    %gather3A_596 = tpu.vector_load_idx %arg6[%add3A_549, %add3A_595] : memref<256x80xf32, #tpu.memory_space<vmem>>[vector<16xi32>, vector<16xi32>], vector<16xf32>,
    %broadcast_in_dim3A_597 = arith.constant 6 : i32
    %broadcast_in_dim3A_598 = vector.broadcast %broadcast_in_dim3A_597 : i32 to vector<16xi32>
    tpu.vector_store_idx %arg7[%add3A_549, %broadcast_in_dim3A_598], %gather3A_596 : memref<256x10xf32, #tpu.memory_space<vmem>>[vector<16xi32>, vector<16xi32>], vector<16xf32>,
    %add3A_599 = arith.constant 7 : i32
    %add3A_600 = vector.broadcast %add3A_599 : i32 to vector<16xi32>
    %add3A_601 = arith.addi %mul3A_556, %add3A_600 : vector<16xi32>
    %gather3A_602 = tpu.vector_load_idx %arg6[%add3A_549, %add3A_601] : memref<256x80xf32, #tpu.memory_space<vmem>>[vector<16xi32>, vector<16xi32>], vector<16xf32>,
    %broadcast_in_dim3A_603 = arith.constant 7 : i32
    %broadcast_in_dim3A_604 = vector.broadcast %broadcast_in_dim3A_603 : i32 to vector<16xi32>
    tpu.vector_store_idx %arg7[%add3A_549, %broadcast_in_dim3A_604], %gather3A_602 : memref<256x10xf32, #tpu.memory_space<vmem>>[vector<16xi32>, vector<16xi32>], vector<16xf32>,
    %add3A_605 = arith.constant 8 : i32
    %add3A_606 = vector.broadcast %add3A_605 : i32 to vector<16xi32>
    %add3A_607 = arith.addi %mul3A_556, %add3A_606 : vector<16xi32>
    %gather3A_608 = tpu.vector_load_idx %arg6[%add3A_549, %add3A_607] : memref<256x80xf32, #tpu.memory_space<vmem>>[vector<16xi32>, vector<16xi32>], vector<16xf32>,
    %broadcast_in_dim3A_609 = arith.constant 8 : i32
    %broadcast_in_dim3A_610 = vector.broadcast %broadcast_in_dim3A_609 : i32 to vector<16xi32>
    tpu.vector_store_idx %arg7[%add3A_549, %broadcast_in_dim3A_610], %gather3A_608 : memref<256x10xf32, #tpu.memory_space<vmem>>[vector<16xi32>, vector<16xi32>], vector<16xf32>,
    %add3A_611 = arith.constant 9 : i32
    %add3A_612 = vector.broadcast %add3A_611 : i32 to vector<16xi32>
    %add3A_613 = arith.addi %mul3A_556, %add3A_612 : vector<16xi32>
    %gather3A_614 = tpu.vector_load_idx %arg6[%add3A_549, %add3A_613] : memref<256x80xf32, #tpu.memory_space<vmem>>[vector<16xi32>, vector<16xi32>], vector<16xf32>,
    %broadcast_in_dim3A_615 = arith.constant 9 : i32
    %broadcast_in_dim3A_616 = vector.broadcast %broadcast_in_dim3A_615 : i32 to vector<16xi32>
    tpu.vector_store_idx %arg7[%add3A_549, %broadcast_in_dim3A_616], %gather3A_614 : memref<256x10xf32, #tpu.memory_space<vmem>>[vector<16xi32>, vector<16xi32>], vector<16xf32>,
    %scan3A_617 = arith.constant 0 : i32
    %scan3A_618 = arith.constant 8 : i32
    %dma_start3A_619 = arith.constant 0 : i32
    %dma_start3A_620 = arith.constant 0 : i32
    %dma_start3A_621 = tpu.memref_slice %arg7[%dma_start3A_619, %dma_start3A_620] : memref<256x10xf32, #tpu.memory_space<vmem>> -> memref<128x10xf32, #tpu.memory_space<vmem>>
    %dma_start3A_622 = arith.constant 0 : i32
    %dma_start3A_623 = tpu.memref_slice %arg4[%mul3A_2, %dma_start3A_622] : memref<8192x10xf32, #tpu.memory_space<hbm>> -> memref<128x10xf32, #tpu.memory_space<hbm>>
    %dma_start3A_624 = arith.constant 0 : i32
    %dma_start3A_625 = tpu.memref_slice %arg4[%mul3A_2, %dma_start3A_624] : memref<8192x10xf32, #tpu.memory_space<hbm>> -> memref<128x10xf32, #tpu.memory_space<hbm>>
    %dma_start3A_626 = arith.constant 0 : i32
    %dma_start3A_627 = arith.constant 0 : i32
    %dma_start3A_628 = tpu.memref_slice %arg7[%dma_start3A_626, %dma_start3A_627] : memref<256x10xf32, #tpu.memory_space<vmem>> -> memref<128x10xf32, #tpu.memory_space<vmem>>
    tpu.enqueue_dma source(%dma_start3A_628 : memref<128x10xf32, #tpu.memory_space<vmem>>) target(%dma_start3A_625 : memref<128x10xf32, #tpu.memory_space<hbm>>) target_semaphore(%arg8 : memref<!tpu.dma_semaphore, #tpu.memory_space<semaphore_mem>>)
    %dma_wait3A_629 = arith.constant 128 : i32
    %dma_wait3A_630 = arith.constant 0 : i32
    %dma_wait3A_631 = tpu.memref_slice %arg6[%dma_wait3A_629, %dma_wait3A_630] : memref<256x80xf32, #tpu.memory_space<vmem>> -> memref<128x80xf32, #tpu.memory_space<vmem>>
    %dma_wait3A_632 = arith.constant 0 : i32
    %dma_wait3A_633 = tpu.memref_slice %arg2[%add3A_15, %dma_wait3A_632] : memref<8192x80xf32, #tpu.memory_space<hbm>> -> memref<128x80xf32, #tpu.memory_space<hbm>>
    %dma_wait3A_634 = arith.constant 128 : i32
    %dma_wait3A_635 = arith.constant 0 : i32
    %dma_wait3A_636 = tpu.memref_slice %arg6[%dma_wait3A_634, %dma_wait3A_635] : memref<256x80xf32, #tpu.memory_space<vmem>> -> memref<128x80xf32, #tpu.memory_space<vmem>>
    %dma_wait3A_637 = arith.constant 0 : i32
    %dma_wait3A_638 = tpu.memref_slice %arg2[%add3A_15, %dma_wait3A_637] : memref<8192x80xf32, #tpu.memory_space<hbm>> -> memref<128x80xf32, #tpu.memory_space<hbm>>
    tpu.wait_dma2 semaphore(%arg9 : memref<!tpu.dma_semaphore, #tpu.memory_space<semaphore_mem>>) src(%dma_wait3A_638 : memref<128x80xf32, #tpu.memory_space<hbm>>) dst(%dma_wait3A_636 : memref<128x80xf32, #tpu.memory_space<vmem>>)
    %scan3A_639 = arith.constant 0 : i32
    %scan3A_640 = arith.constant 8 : i32
    %mul3A_641 = arith.constant 16 : i32
    %mul3A_642 = arith.muli %scan3A_640, %mul3A_641 : i32
    %add3A_643 = vector.broadcast %mul3A_642 : i32 to vector<16xi32>
    %add3A_644 = arith.addi %add3A_643, %iota3A : vector<16xi32>
    %mul3A_645 = arith.constant 16 : i32
    %mul3A_646 = arith.muli %scan3A_640, %mul3A_645 : i32
    %get3A_647 = arith.index_cast %mul3A_646 : i32 to index
    %get3A_648 = tpu.vector_load %arg5[%get3A_647] {strides = array<i32>} : memref<256xi32, #tpu.memory_space<vmem>>, vector<16xi32>,
    %mul3A_649 = arith.constant 10 : i32
    %mul3A_650 = vector.broadcast %mul3A_649 : i32 to vector<16xi32>
    %mul3A_651 = arith.muli %get3A_648, %mul3A_650 : vector<16xi32>
    %add3A_652 = arith.constant 0 : i32
    %add3A_653 = vector.broadcast %add3A_652 : i32 to vector<16xi32>
    %add3A_654 = arith.addi %mul3A_651, %add3A_653 : vector<16xi32>
    %gather3A_655 = tpu.vector_load_idx %arg6[%add3A_644, %add3A_654] : memref<256x80xf32, #tpu.memory_space<vmem>>[vector<16xi32>, vector<16xi32>], vector<16xf32>,
    %broadcast_in_dim3A_656 = arith.constant 0 : i32
    %broadcast_in_dim3A_657 = vector.broadcast %broadcast_in_dim3A_656 : i32 to vector<16xi32>
    tpu.vector_store_idx %arg7[%add3A_644, %broadcast_in_dim3A_657], %gather3A_655 : memref<256x10xf32, #tpu.memory_space<vmem>>[vector<16xi32>, vector<16xi32>], vector<16xf32>,
    %add3A_658 = arith.constant 1 : i32
    %add3A_659 = vector.broadcast %add3A_658 : i32 to vector<16xi32>
    %add3A_660 = arith.addi %mul3A_651, %add3A_659 : vector<16xi32>
    %gather3A_661 = tpu.vector_load_idx %arg6[%add3A_644, %add3A_660] : memref<256x80xf32, #tpu.memory_space<vmem>>[vector<16xi32>, vector<16xi32>], vector<16xf32>,
    %broadcast_in_dim3A_662 = arith.constant 1 : i32
    %broadcast_in_dim3A_663 = vector.broadcast %broadcast_in_dim3A_662 : i32 to vector<16xi32>
    tpu.vector_store_idx %arg7[%add3A_644, %broadcast_in_dim3A_663], %gather3A_661 : memref<256x10xf32, #tpu.memory_space<vmem>>[vector<16xi32>, vector<16xi32>], vector<16xf32>,
    %add3A_664 = arith.constant 2 : i32
    %add3A_665 = vector.broadcast %add3A_664 : i32 to vector<16xi32>
    %add3A_666 = arith.addi %mul3A_651, %add3A_665 : vector<16xi32>
    %gather3A_667 = tpu.vector_load_idx %arg6[%add3A_644, %add3A_666] : memref<256x80xf32, #tpu.memory_space<vmem>>[vector<16xi32>, vector<16xi32>], vector<16xf32>,
    %broadcast_in_dim3A_668 = arith.constant 2 : i32
    %broadcast_in_dim3A_669 = vector.broadcast %broadcast_in_dim3A_668 : i32 to vector<16xi32>
    tpu.vector_store_idx %arg7[%add3A_644, %broadcast_in_dim3A_669], %gather3A_667 : memref<256x10xf32, #tpu.memory_space<vmem>>[vector<16xi32>, vector<16xi32>], vector<16xf32>,
    %add3A_670 = arith.constant 3 : i32
    %add3A_671 = vector.broadcast %add3A_670 : i32 to vector<16xi32>
    %add3A_672 = arith.addi %mul3A_651, %add3A_671 : vector<16xi32>
    %gather3A_673 = tpu.vector_load_idx %arg6[%add3A_644, %add3A_672] : memref<256x80xf32, #tpu.memory_space<vmem>>[vector<16xi32>, vector<16xi32>], vector<16xf32>,
    %broadcast_in_dim3A_674 = arith.constant 3 : i32
    %broadcast_in_dim3A_675 = vector.broadcast %broadcast_in_dim3A_674 : i32 to vector<16xi32>
    tpu.vector_store_idx %arg7[%add3A_644, %broadcast_in_dim3A_675], %gather3A_673 : memref<256x10xf32, #tpu.memory_space<vmem>>[vector<16xi32>, vector<16xi32>], vector<16xf32>,
    %add3A_676 = arith.constant 4 : i32
    %add3A_677 = vector.broadcast %add3A_676 : i32 to vector<16xi32>
    %add3A_678 = arith.addi %mul3A_651, %add3A_677 : vector<16xi32>
    %gather3A_679 = tpu.vector_load_idx %arg6[%add3A_644, %add3A_678] : memref<256x80xf32, #tpu.memory_space<vmem>>[vector<16xi32>, vector<16xi32>], vector<16xf32>,
    %broadcast_in_dim3A_680 = arith.constant 4 : i32
    %broadcast_in_dim3A_681 = vector.broadcast %broadcast_in_dim3A_680 : i32 to vector<16xi32>
    tpu.vector_store_idx %arg7[%add3A_644, %broadcast_in_dim3A_681], %gather3A_679 : memref<256x10xf32, #tpu.memory_space<vmem>>[vector<16xi32>, vector<16xi32>], vector<16xf32>,
    %add3A_682 = arith.constant 5 : i32
    %add3A_683 = vector.broadcast %add3A_682 : i32 to vector<16xi32>
    %add3A_684 = arith.addi %mul3A_651, %add3A_683 : vector<16xi32>
    %gather3A_685 = tpu.vector_load_idx %arg6[%add3A_644, %add3A_684] : memref<256x80xf32, #tpu.memory_space<vmem>>[vector<16xi32>, vector<16xi32>], vector<16xf32>,
    %broadcast_in_dim3A_686 = arith.constant 5 : i32
    %broadcast_in_dim3A_687 = vector.broadcast %broadcast_in_dim3A_686 : i32 to vector<16xi32>
    tpu.vector_store_idx %arg7[%add3A_644, %broadcast_in_dim3A_687], %gather3A_685 : memref<256x10xf32, #tpu.memory_space<vmem>>[vector<16xi32>, vector<16xi32>], vector<16xf32>,
    %add3A_688 = arith.constant 6 : i32
    %add3A_689 = vector.broadcast %add3A_688 : i32 to vector<16xi32>
    %add3A_690 = arith.addi %mul3A_651, %add3A_689 : vector<16xi32>
    %gather3A_691 = tpu.vector_load_idx %arg6[%add3A_644, %add3A_690] : memref<256x80xf32, #tpu.memory_space<vmem>>[vector<16xi32>, vector<16xi32>], vector<16xf32>,
    %broadcast_in_dim3A_692 = arith.constant 6 : i32
    %broadcast_in_dim3A_693 = vector.broadcast %broadcast_in_dim3A_692 : i32 to vector<16xi32>
    tpu.vector_store_idx %arg7[%add3A_644, %broadcast_in_dim3A_693], %gather3A_691 : memref<256x10xf32, #tpu.memory_space<vmem>>[vector<16xi32>, vector<16xi32>], vector<16xf32>,
    %add3A_694 = arith.constant 7 : i32
    %add3A_695 = vector.broadcast %add3A_694 : i32 to vector<16xi32>
    %add3A_696 = arith.addi %mul3A_651, %add3A_695 : vector<16xi32>
    %gather3A_697 = tpu.vector_load_idx %arg6[%add3A_644, %add3A_696] : memref<256x80xf32, #tpu.memory_space<vmem>>[vector<16xi32>, vector<16xi32>], vector<16xf32>,
    %broadcast_in_dim3A_698 = arith.constant 7 : i32
    %broadcast_in_dim3A_699 = vector.broadcast %broadcast_in_dim3A_698 : i32 to vector<16xi32>
    tpu.vector_store_idx %arg7[%add3A_644, %broadcast_in_dim3A_699], %gather3A_697 : memref<256x10xf32, #tpu.memory_space<vmem>>[vector<16xi32>, vector<16xi32>], vector<16xf32>,
    %add3A_700 = arith.constant 8 : i32
    %add3A_701 = vector.broadcast %add3A_700 : i32 to vector<16xi32>
    %add3A_702 = arith.addi %mul3A_651, %add3A_701 : vector<16xi32>
    %gather3A_703 = tpu.vector_load_idx %arg6[%add3A_644, %add3A_702] : memref<256x80xf32, #tpu.memory_space<vmem>>[vector<16xi32>, vector<16xi32>], vector<16xf32>,
    %broadcast_in_dim3A_704 = arith.constant 8 : i32
    %broadcast_in_dim3A_705 = vector.broadcast %broadcast_in_dim3A_704 : i32 to vector<16xi32>
    tpu.vector_store_idx %arg7[%add3A_644, %broadcast_in_dim3A_705], %gather3A_703 : memref<256x10xf32, #tpu.memory_space<vmem>>[vector<16xi32>, vector<16xi32>], vector<16xf32>,
    %add3A_706 = arith.constant 9 : i32
    %add3A_707 = vector.broadcast %add3A_706 : i32 to vector<16xi32>
    %add3A_708 = arith.addi %mul3A_651, %add3A_707 : vector<16xi32>
    %gather3A_709 = tpu.vector_load_idx %arg6[%add3A_644, %add3A_708] : memref<256x80xf32, #tpu.memory_space<vmem>>[vector<16xi32>, vector<16xi32>], vector<16xf32>,
    %broadcast_in_dim3A_710 = arith.constant 9 : i32
    %broadcast_in_dim3A_711 = vector.broadcast %broadcast_in_dim3A_710 : i32 to vector<16xi32>
    tpu.vector_store_idx %arg7[%add3A_644, %broadcast_in_dim3A_711], %gather3A_709 : memref<256x10xf32, #tpu.memory_space<vmem>>[vector<16xi32>, vector<16xi32>], vector<16xf32>,
    %scan3A_712 = arith.constant 0 : i32
    %scan3A_713 = arith.constant 9 : i32
    %mul3A_714 = arith.constant 16 : i32
    %mul3A_715 = arith.muli %scan3A_713, %mul3A_714 : i32
    %add3A_716 = vector.broadcast %mul3A_715 : i32 to vector<16xi32>
    %add3A_717 = arith.addi %add3A_716, %iota3A : vector<16xi32>
    %mul3A_718 = arith.constant 16 : i32
    %mul3A_719 = arith.muli %scan3A_713, %mul3A_718 : i32
    %get3A_720 = arith.index_cast %mul3A_719 : i32 to index
    %get3A_721 = tpu.vector_load %arg5[%get3A_720] {strides = array<i32>} : memref<256xi32, #tpu.memory_space<vmem>>, vector<16xi32>,
    %mul3A_722 = arith.constant 10 : i32
    %mul3A_723 = vector.broadcast %mul3A_722 : i32 to vector<16xi32>
    %mul3A_724 = arith.muli %get3A_721, %mul3A_723 : vector<16xi32>
    %add3A_725 = arith.constant 0 : i32
    %add3A_726 = vector.broadcast %add3A_725 : i32 to vector<16xi32>
    %add3A_727 = arith.addi %mul3A_724, %add3A_726 : vector<16xi32>
    %gather3A_728 = tpu.vector_load_idx %arg6[%add3A_717, %add3A_727] : memref<256x80xf32, #tpu.memory_space<vmem>>[vector<16xi32>, vector<16xi32>], vector<16xf32>,
    %broadcast_in_dim3A_729 = arith.constant 0 : i32
    %broadcast_in_dim3A_730 = vector.broadcast %broadcast_in_dim3A_729 : i32 to vector<16xi32>
    tpu.vector_store_idx %arg7[%add3A_717, %broadcast_in_dim3A_730], %gather3A_728 : memref<256x10xf32, #tpu.memory_space<vmem>>[vector<16xi32>, vector<16xi32>], vector<16xf32>,
    %add3A_731 = arith.constant 1 : i32
    %add3A_732 = vector.broadcast %add3A_731 : i32 to vector<16xi32>
    %add3A_733 = arith.addi %mul3A_724, %add3A_732 : vector<16xi32>
    %gather3A_734 = tpu.vector_load_idx %arg6[%add3A_717, %add3A_733] : memref<256x80xf32, #tpu.memory_space<vmem>>[vector<16xi32>, vector<16xi32>], vector<16xf32>,
    %broadcast_in_dim3A_735 = arith.constant 1 : i32
    %broadcast_in_dim3A_736 = vector.broadcast %broadcast_in_dim3A_735 : i32 to vector<16xi32>
    tpu.vector_store_idx %arg7[%add3A_717, %broadcast_in_dim3A_736], %gather3A_734 : memref<256x10xf32, #tpu.memory_space<vmem>>[vector<16xi32>, vector<16xi32>], vector<16xf32>,
    %add3A_737 = arith.constant 2 : i32
    %add3A_738 = vector.broadcast %add3A_737 : i32 to vector<16xi32>
    %add3A_739 = arith.addi %mul3A_724, %add3A_738 : vector<16xi32>
    %gather3A_740 = tpu.vector_load_idx %arg6[%add3A_717, %add3A_739] : memref<256x80xf32, #tpu.memory_space<vmem>>[vector<16xi32>, vector<16xi32>], vector<16xf32>,
    %broadcast_in_dim3A_741 = arith.constant 2 : i32
    %broadcast_in_dim3A_742 = vector.broadcast %broadcast_in_dim3A_741 : i32 to vector<16xi32>
    tpu.vector_store_idx %arg7[%add3A_717, %broadcast_in_dim3A_742], %gather3A_740 : memref<256x10xf32, #tpu.memory_space<vmem>>[vector<16xi32>, vector<16xi32>], vector<16xf32>,
    %add3A_743 = arith.constant 3 : i32
    %add3A_744 = vector.broadcast %add3A_743 : i32 to vector<16xi32>
    %add3A_745 = arith.addi %mul3A_724, %add3A_744 : vector<16xi32>
    %gather3A_746 = tpu.vector_load_idx %arg6[%add3A_717, %add3A_745] : memref<256x80xf32, #tpu.memory_space<vmem>>[vector<16xi32>, vector<16xi32>], vector<16xf32>,
    %broadcast_in_dim3A_747 = arith.constant 3 : i32
    %broadcast_in_dim3A_748 = vector.broadcast %broadcast_in_dim3A_747 : i32 to vector<16xi32>
    tpu.vector_store_idx %arg7[%add3A_717, %broadcast_in_dim3A_748], %gather3A_746 : memref<256x10xf32, #tpu.memory_space<vmem>>[vector<16xi32>, vector<16xi32>], vector<16xf32>,
    %add3A_749 = arith.constant 4 : i32
    %add3A_750 = vector.broadcast %add3A_749 : i32 to vector<16xi32>
    %add3A_751 = arith.addi %mul3A_724, %add3A_750 : vector<16xi32>
    %gather3A_752 = tpu.vector_load_idx %arg6[%add3A_717, %add3A_751] : memref<256x80xf32, #tpu.memory_space<vmem>>[vector<16xi32>, vector<16xi32>], vector<16xf32>,
    %broadcast_in_dim3A_753 = arith.constant 4 : i32
    %broadcast_in_dim3A_754 = vector.broadcast %broadcast_in_dim3A_753 : i32 to vector<16xi32>
    tpu.vector_store_idx %arg7[%add3A_717, %broadcast_in_dim3A_754], %gather3A_752 : memref<256x10xf32, #tpu.memory_space<vmem>>[vector<16xi32>, vector<16xi32>], vector<16xf32>,
    %add3A_755 = arith.constant 5 : i32
    %add3A_756 = vector.broadcast %add3A_755 : i32 to vector<16xi32>
    %add3A_757 = arith.addi %mul3A_724, %add3A_756 : vector<16xi32>
    %gather3A_758 = tpu.vector_load_idx %arg6[%add3A_717, %add3A_757] : memref<256x80xf32, #tpu.memory_space<vmem>>[vector<16xi32>, vector<16xi32>], vector<16xf32>,
    %broadcast_in_dim3A_759 = arith.constant 5 : i32
    %broadcast_in_dim3A_760 = vector.broadcast %broadcast_in_dim3A_759 : i32 to vector<16xi32>
    tpu.vector_store_idx %arg7[%add3A_717, %broadcast_in_dim3A_760], %gather3A_758 : memref<256x10xf32, #tpu.memory_space<vmem>>[vector<16xi32>, vector<16xi32>], vector<16xf32>,
    %add3A_761 = arith.constant 6 : i32
    %add3A_762 = vector.broadcast %add3A_761 : i32 to vector<16xi32>
    %add3A_763 = arith.addi %mul3A_724, %add3A_762 : vector<16xi32>
    %gather3A_764 = tpu.vector_load_idx %arg6[%add3A_717, %add3A_763] : memref<256x80xf32, #tpu.memory_space<vmem>>[vector<16xi32>, vector<16xi32>], vector<16xf32>,
    %broadcast_in_dim3A_765 = arith.constant 6 : i32
    %broadcast_in_dim3A_766 = vector.broadcast %broadcast_in_dim3A_765 : i32 to vector<16xi32>
    tpu.vector_store_idx %arg7[%add3A_717, %broadcast_in_dim3A_766], %gather3A_764 : memref<256x10xf32, #tpu.memory_space<vmem>>[vector<16xi32>, vector<16xi32>], vector<16xf32>,
    %add3A_767 = arith.constant 7 : i32
    %add3A_768 = vector.broadcast %add3A_767 : i32 to vector<16xi32>
    %add3A_769 = arith.addi %mul3A_724, %add3A_768 : vector<16xi32>
    %gather3A_770 = tpu.vector_load_idx %arg6[%add3A_717, %add3A_769] : memref<256x80xf32, #tpu.memory_space<vmem>>[vector<16xi32>, vector<16xi32>], vector<16xf32>,
    %broadcast_in_dim3A_771 = arith.constant 7 : i32
    %broadcast_in_dim3A_772 = vector.broadcast %broadcast_in_dim3A_771 : i32 to vector<16xi32>
    tpu.vector_store_idx %arg7[%add3A_717, %broadcast_in_dim3A_772], %gather3A_770 : memref<256x10xf32, #tpu.memory_space<vmem>>[vector<16xi32>, vector<16xi32>], vector<16xf32>,
    %add3A_773 = arith.constant 8 : i32
    %add3A_774 = vector.broadcast %add3A_773 : i32 to vector<16xi32>
    %add3A_775 = arith.addi %mul3A_724, %add3A_774 : vector<16xi32>
    %gather3A_776 = tpu.vector_load_idx %arg6[%add3A_717, %add3A_775] : memref<256x80xf32, #tpu.memory_space<vmem>>[vector<16xi32>, vector<16xi32>], vector<16xf32>,
    %broadcast_in_dim3A_777 = arith.constant 8 : i32
    %broadcast_in_dim3A_778 = vector.broadcast %broadcast_in_dim3A_777 : i32 to vector<16xi32>
    tpu.vector_store_idx %arg7[%add3A_717, %broadcast_in_dim3A_778], %gather3A_776 : memref<256x10xf32, #tpu.memory_space<vmem>>[vector<16xi32>, vector<16xi32>], vector<16xf32>,
    %add3A_779 = arith.constant 9 : i32
    %add3A_780 = vector.broadcast %add3A_779 : i32 to vector<16xi32>
    %add3A_781 = arith.addi %mul3A_724, %add3A_780 : vector<16xi32>
    %gather3A_782 = tpu.vector_load_idx %arg6[%add3A_717, %add3A_781] : memref<256x80xf32, #tpu.memory_space<vmem>>[vector<16xi32>, vector<16xi32>], vector<16xf32>,
    %broadcast_in_dim3A_783 = arith.constant 9 : i32
    %broadcast_in_dim3A_784 = vector.broadcast %broadcast_in_dim3A_783 : i32 to vector<16xi32>
    tpu.vector_store_idx %arg7[%add3A_717, %broadcast_in_dim3A_784], %gather3A_782 : memref<256x10xf32, #tpu.memory_space<vmem>>[vector<16xi32>, vector<16xi32>], vector<16xf32>,
    %scan3A_785 = arith.constant 0 : i32
    %scan3A_786 = arith.constant 10 : i32
    %mul3A_787 = arith.constant 16 : i32
    %mul3A_788 = arith.muli %scan3A_786, %mul3A_787 : i32
    %add3A_789 = vector.broadcast %mul3A_788 : i32 to vector<16xi32>
    %add3A_790 = arith.addi %add3A_789, %iota3A : vector<16xi32>
    %mul3A_791 = arith.constant 16 : i32
    %mul3A_792 = arith.muli %scan3A_786, %mul3A_791 : i32
    %get3A_793 = arith.index_cast %mul3A_792 : i32 to index
    %get3A_794 = tpu.vector_load %arg5[%get3A_793] {strides = array<i32>} : memref<256xi32, #tpu.memory_space<vmem>>, vector<16xi32>,
    %mul3A_795 = arith.constant 10 : i32
    %mul3A_796 = vector.broadcast %mul3A_795 : i32 to vector<16xi32>
    %mul3A_797 = arith.muli %get3A_794, %mul3A_796 : vector<16xi32>
    %add3A_798 = arith.constant 0 : i32
    %add3A_799 = vector.broadcast %add3A_798 : i32 to vector<16xi32>
    %add3A_800 = arith.addi %mul3A_797, %add3A_799 : vector<16xi32>
    %gather3A_801 = tpu.vector_load_idx %arg6[%add3A_790, %add3A_800] : memref<256x80xf32, #tpu.memory_space<vmem>>[vector<16xi32>, vector<16xi32>], vector<16xf32>,
    %broadcast_in_dim3A_802 = arith.constant 0 : i32
    %broadcast_in_dim3A_803 = vector.broadcast %broadcast_in_dim3A_802 : i32 to vector<16xi32>
    tpu.vector_store_idx %arg7[%add3A_790, %broadcast_in_dim3A_803], %gather3A_801 : memref<256x10xf32, #tpu.memory_space<vmem>>[vector<16xi32>, vector<16xi32>], vector<16xf32>,
    %add3A_804 = arith.constant 1 : i32
    %add3A_805 = vector.broadcast %add3A_804 : i32 to vector<16xi32>
    %add3A_806 = arith.addi %mul3A_797, %add3A_805 : vector<16xi32>
    %gather3A_807 = tpu.vector_load_idx %arg6[%add3A_790, %add3A_806] : memref<256x80xf32, #tpu.memory_space<vmem>>[vector<16xi32>, vector<16xi32>], vector<16xf32>,
    %broadcast_in_dim3A_808 = arith.constant 1 : i32
    %broadcast_in_dim3A_809 = vector.broadcast %broadcast_in_dim3A_808 : i32 to vector<16xi32>
    tpu.vector_store_idx %arg7[%add3A_790, %broadcast_in_dim3A_809], %gather3A_807 : memref<256x10xf32, #tpu.memory_space<vmem>>[vector<16xi32>, vector<16xi32>], vector<16xf32>,
    %add3A_810 = arith.constant 2 : i32
    %add3A_811 = vector.broadcast %add3A_810 : i32 to vector<16xi32>
    %add3A_812 = arith.addi %mul3A_797, %add3A_811 : vector<16xi32>
    %gather3A_813 = tpu.vector_load_idx %arg6[%add3A_790, %add3A_812] : memref<256x80xf32, #tpu.memory_space<vmem>>[vector<16xi32>, vector<16xi32>], vector<16xf32>,
    %broadcast_in_dim3A_814 = arith.constant 2 : i32
    %broadcast_in_dim3A_815 = vector.broadcast %broadcast_in_dim3A_814 : i32 to vector<16xi32>
    tpu.vector_store_idx %arg7[%add3A_790, %broadcast_in_dim3A_815], %gather3A_813 : memref<256x10xf32, #tpu.memory_space<vmem>>[vector<16xi32>, vector<16xi32>], vector<16xf32>,
    %add3A_816 = arith.constant 3 : i32
    %add3A_817 = vector.broadcast %add3A_816 : i32 to vector<16xi32>
    %add3A_818 = arith.addi %mul3A_797, %add3A_817 : vector<16xi32>
    %gather3A_819 = tpu.vector_load_idx %arg6[%add3A_790, %add3A_818] : memref<256x80xf32, #tpu.memory_space<vmem>>[vector<16xi32>, vector<16xi32>], vector<16xf32>,
    %broadcast_in_dim3A_820 = arith.constant 3 : i32
    %broadcast_in_dim3A_821 = vector.broadcast %broadcast_in_dim3A_820 : i32 to vector<16xi32>
    tpu.vector_store_idx %arg7[%add3A_790, %broadcast_in_dim3A_821], %gather3A_819 : memref<256x10xf32, #tpu.memory_space<vmem>>[vector<16xi32>, vector<16xi32>], vector<16xf32>,
    %add3A_822 = arith.constant 4 : i32
    %add3A_823 = vector.broadcast %add3A_822 : i32 to vector<16xi32>
    %add3A_824 = arith.addi %mul3A_797, %add3A_823 : vector<16xi32>
    %gather3A_825 = tpu.vector_load_idx %arg6[%add3A_790, %add3A_824] : memref<256x80xf32, #tpu.memory_space<vmem>>[vector<16xi32>, vector<16xi32>], vector<16xf32>,
    %broadcast_in_dim3A_826 = arith.constant 4 : i32
    %broadcast_in_dim3A_827 = vector.broadcast %broadcast_in_dim3A_826 : i32 to vector<16xi32>
    tpu.vector_store_idx %arg7[%add3A_790, %broadcast_in_dim3A_827], %gather3A_825 : memref<256x10xf32, #tpu.memory_space<vmem>>[vector<16xi32>, vector<16xi32>], vector<16xf32>,
    %add3A_828 = arith.constant 5 : i32
    %add3A_829 = vector.broadcast %add3A_828 : i32 to vector<16xi32>
    %add3A_830 = arith.addi %mul3A_797, %add3A_829 : vector<16xi32>
    %gather3A_831 = tpu.vector_load_idx %arg6[%add3A_790, %add3A_830] : memref<256x80xf32, #tpu.memory_space<vmem>>[vector<16xi32>, vector<16xi32>], vector<16xf32>,
    %broadcast_in_dim3A_832 = arith.constant 5 : i32
    %broadcast_in_dim3A_833 = vector.broadcast %broadcast_in_dim3A_832 : i32 to vector<16xi32>
    tpu.vector_store_idx %arg7[%add3A_790, %broadcast_in_dim3A_833], %gather3A_831 : memref<256x10xf32, #tpu.memory_space<vmem>>[vector<16xi32>, vector<16xi32>], vector<16xf32>,
    %add3A_834 = arith.constant 6 : i32
    %add3A_835 = vector.broadcast %add3A_834 : i32 to vector<16xi32>
    %add3A_836 = arith.addi %mul3A_797, %add3A_835 : vector<16xi32>
    %gather3A_837 = tpu.vector_load_idx %arg6[%add3A_790, %add3A_836] : memref<256x80xf32, #tpu.memory_space<vmem>>[vector<16xi32>, vector<16xi32>], vector<16xf32>,
    %broadcast_in_dim3A_838 = arith.constant 6 : i32
    %broadcast_in_dim3A_839 = vector.broadcast %broadcast_in_dim3A_838 : i32 to vector<16xi32>
    tpu.vector_store_idx %arg7[%add3A_790, %broadcast_in_dim3A_839], %gather3A_837 : memref<256x10xf32, #tpu.memory_space<vmem>>[vector<16xi32>, vector<16xi32>], vector<16xf32>,
    %add3A_840 = arith.constant 7 : i32
    %add3A_841 = vector.broadcast %add3A_840 : i32 to vector<16xi32>
    %add3A_842 = arith.addi %mul3A_797, %add3A_841 : vector<16xi32>
    %gather3A_843 = tpu.vector_load_idx %arg6[%add3A_790, %add3A_842] : memref<256x80xf32, #tpu.memory_space<vmem>>[vector<16xi32>, vector<16xi32>], vector<16xf32>,
    %broadcast_in_dim3A_844 = arith.constant 7 : i32
    %broadcast_in_dim3A_845 = vector.broadcast %broadcast_in_dim3A_844 : i32 to vector<16xi32>
    tpu.vector_store_idx %arg7[%add3A_790, %broadcast_in_dim3A_845], %gather3A_843 : memref<256x10xf32, #tpu.memory_space<vmem>>[vector<16xi32>, vector<16xi32>], vector<16xf32>,
    %add3A_846 = arith.constant 8 : i32
    %add3A_847 = vector.broadcast %add3A_846 : i32 to vector<16xi32>
    %add3A_848 = arith.addi %mul3A_797, %add3A_847 : vector<16xi32>
    %gather3A_849 = tpu.vector_load_idx %arg6[%add3A_790, %add3A_848] : memref<256x80xf32, #tpu.memory_space<vmem>>[vector<16xi32>, vector<16xi32>], vector<16xf32>,
    %broadcast_in_dim3A_850 = arith.constant 8 : i32
    %broadcast_in_dim3A_851 = vector.broadcast %broadcast_in_dim3A_850 : i32 to vector<16xi32>
    tpu.vector_store_idx %arg7[%add3A_790, %broadcast_in_dim3A_851], %gather3A_849 : memref<256x10xf32, #tpu.memory_space<vmem>>[vector<16xi32>, vector<16xi32>], vector<16xf32>,
    %add3A_852 = arith.constant 9 : i32
    %add3A_853 = vector.broadcast %add3A_852 : i32 to vector<16xi32>
    %add3A_854 = arith.addi %mul3A_797, %add3A_853 : vector<16xi32>
    %gather3A_855 = tpu.vector_load_idx %arg6[%add3A_790, %add3A_854] : memref<256x80xf32, #tpu.memory_space<vmem>>[vector<16xi32>, vector<16xi32>], vector<16xf32>,
    %broadcast_in_dim3A_856 = arith.constant 9 : i32
    %broadcast_in_dim3A_857 = vector.broadcast %broadcast_in_dim3A_856 : i32 to vector<16xi32>
    tpu.vector_store_idx %arg7[%add3A_790, %broadcast_in_dim3A_857], %gather3A_855 : memref<256x10xf32, #tpu.memory_space<vmem>>[vector<16xi32>, vector<16xi32>], vector<16xf32>,
    %scan3A_858 = arith.constant 0 : i32
    %scan3A_859 = arith.constant 11 : i32
    %mul3A_860 = arith.constant 16 : i32
    %mul3A_861 = arith.muli %scan3A_859, %mul3A_860 : i32
    %add3A_862 = vector.broadcast %mul3A_861 : i32 to vector<16xi32>
    %add3A_863 = arith.addi %add3A_862, %iota3A : vector<16xi32>
    %mul3A_864 = arith.constant 16 : i32
    %mul3A_865 = arith.muli %scan3A_859, %mul3A_864 : i32
    %get3A_866 = arith.index_cast %mul3A_865 : i32 to index
    %get3A_867 = tpu.vector_load %arg5[%get3A_866] {strides = array<i32>} : memref<256xi32, #tpu.memory_space<vmem>>, vector<16xi32>,
    %mul3A_868 = arith.constant 10 : i32
    %mul3A_869 = vector.broadcast %mul3A_868 : i32 to vector<16xi32>
    %mul3A_870 = arith.muli %get3A_867, %mul3A_869 : vector<16xi32>
    %add3A_871 = arith.constant 0 : i32
    %add3A_872 = vector.broadcast %add3A_871 : i32 to vector<16xi32>
    %add3A_873 = arith.addi %mul3A_870, %add3A_872 : vector<16xi32>
    %gather3A_874 = tpu.vector_load_idx %arg6[%add3A_863, %add3A_873] : memref<256x80xf32, #tpu.memory_space<vmem>>[vector<16xi32>, vector<16xi32>], vector<16xf32>,
    %broadcast_in_dim3A_875 = arith.constant 0 : i32
    %broadcast_in_dim3A_876 = vector.broadcast %broadcast_in_dim3A_875 : i32 to vector<16xi32>
    tpu.vector_store_idx %arg7[%add3A_863, %broadcast_in_dim3A_876], %gather3A_874 : memref<256x10xf32, #tpu.memory_space<vmem>>[vector<16xi32>, vector<16xi32>], vector<16xf32>,
    %add3A_877 = arith.constant 1 : i32
    %add3A_878 = vector.broadcast %add3A_877 : i32 to vector<16xi32>
    %add3A_879 = arith.addi %mul3A_870, %add3A_878 : vector<16xi32>
    %gather3A_880 = tpu.vector_load_idx %arg6[%add3A_863, %add3A_879] : memref<256x80xf32, #tpu.memory_space<vmem>>[vector<16xi32>, vector<16xi32>], vector<16xf32>,
    %broadcast_in_dim3A_881 = arith.constant 1 : i32
    %broadcast_in_dim3A_882 = vector.broadcast %broadcast_in_dim3A_881 : i32 to vector<16xi32>
    tpu.vector_store_idx %arg7[%add3A_863, %broadcast_in_dim3A_882], %gather3A_880 : memref<256x10xf32, #tpu.memory_space<vmem>>[vector<16xi32>, vector<16xi32>], vector<16xf32>,
    %add3A_883 = arith.constant 2 : i32
    %add3A_884 = vector.broadcast %add3A_883 : i32 to vector<16xi32>
    %add3A_885 = arith.addi %mul3A_870, %add3A_884 : vector<16xi32>
    %gather3A_886 = tpu.vector_load_idx %arg6[%add3A_863, %add3A_885] : memref<256x80xf32, #tpu.memory_space<vmem>>[vector<16xi32>, vector<16xi32>], vector<16xf32>,
    %broadcast_in_dim3A_887 = arith.constant 2 : i32
    %broadcast_in_dim3A_888 = vector.broadcast %broadcast_in_dim3A_887 : i32 to vector<16xi32>
    tpu.vector_store_idx %arg7[%add3A_863, %broadcast_in_dim3A_888], %gather3A_886 : memref<256x10xf32, #tpu.memory_space<vmem>>[vector<16xi32>, vector<16xi32>], vector<16xf32>,
    %add3A_889 = arith.constant 3 : i32
    %add3A_890 = vector.broadcast %add3A_889 : i32 to vector<16xi32>
    %add3A_891 = arith.addi %mul3A_870, %add3A_890 : vector<16xi32>
    %gather3A_892 = tpu.vector_load_idx %arg6[%add3A_863, %add3A_891] : memref<256x80xf32, #tpu.memory_space<vmem>>[vector<16xi32>, vector<16xi32>], vector<16xf32>,
    %broadcast_in_dim3A_893 = arith.constant 3 : i32
    %broadcast_in_dim3A_894 = vector.broadcast %broadcast_in_dim3A_893 : i32 to vector<16xi32>
    tpu.vector_store_idx %arg7[%add3A_863, %broadcast_in_dim3A_894], %gather3A_892 : memref<256x10xf32, #tpu.memory_space<vmem>>[vector<16xi32>, vector<16xi32>], vector<16xf32>,
    %add3A_895 = arith.constant 4 : i32
    %add3A_896 = vector.broadcast %add3A_895 : i32 to vector<16xi32>
    %add3A_897 = arith.addi %mul3A_870, %add3A_896 : vector<16xi32>
    %gather3A_898 = tpu.vector_load_idx %arg6[%add3A_863, %add3A_897] : memref<256x80xf32, #tpu.memory_space<vmem>>[vector<16xi32>, vector<16xi32>], vector<16xf32>,
    %broadcast_in_dim3A_899 = arith.constant 4 : i32
    %broadcast_in_dim3A_900 = vector.broadcast %broadcast_in_dim3A_899 : i32 to vector<16xi32>
    tpu.vector_store_idx %arg7[%add3A_863, %broadcast_in_dim3A_900], %gather3A_898 : memref<256x10xf32, #tpu.memory_space<vmem>>[vector<16xi32>, vector<16xi32>], vector<16xf32>,
    %add3A_901 = arith.constant 5 : i32
    %add3A_902 = vector.broadcast %add3A_901 : i32 to vector<16xi32>
    %add3A_903 = arith.addi %mul3A_870, %add3A_902 : vector<16xi32>
    %gather3A_904 = tpu.vector_load_idx %arg6[%add3A_863, %add3A_903] : memref<256x80xf32, #tpu.memory_space<vmem>>[vector<16xi32>, vector<16xi32>], vector<16xf32>,
    %broadcast_in_dim3A_905 = arith.constant 5 : i32
    %broadcast_in_dim3A_906 = vector.broadcast %broadcast_in_dim3A_905 : i32 to vector<16xi32>
    tpu.vector_store_idx %arg7[%add3A_863, %broadcast_in_dim3A_906], %gather3A_904 : memref<256x10xf32, #tpu.memory_space<vmem>>[vector<16xi32>, vector<16xi32>], vector<16xf32>,
    %add3A_907 = arith.constant 6 : i32
    %add3A_908 = vector.broadcast %add3A_907 : i32 to vector<16xi32>
    %add3A_909 = arith.addi %mul3A_870, %add3A_908 : vector<16xi32>
    %gather3A_910 = tpu.vector_load_idx %arg6[%add3A_863, %add3A_909] : memref<256x80xf32, #tpu.memory_space<vmem>>[vector<16xi32>, vector<16xi32>], vector<16xf32>,
    %broadcast_in_dim3A_911 = arith.constant 6 : i32
    %broadcast_in_dim3A_912 = vector.broadcast %broadcast_in_dim3A_911 : i32 to vector<16xi32>
    tpu.vector_store_idx %arg7[%add3A_863, %broadcast_in_dim3A_912], %gather3A_910 : memref<256x10xf32, #tpu.memory_space<vmem>>[vector<16xi32>, vector<16xi32>], vector<16xf32>,
    %add3A_913 = arith.constant 7 : i32
    %add3A_914 = vector.broadcast %add3A_913 : i32 to vector<16xi32>
    %add3A_915 = arith.addi %mul3A_870, %add3A_914 : vector<16xi32>
    %gather3A_916 = tpu.vector_load_idx %arg6[%add3A_863, %add3A_915] : memref<256x80xf32, #tpu.memory_space<vmem>>[vector<16xi32>, vector<16xi32>], vector<16xf32>,
    %broadcast_in_dim3A_917 = arith.constant 7 : i32
    %broadcast_in_dim3A_918 = vector.broadcast %broadcast_in_dim3A_917 : i32 to vector<16xi32>
    tpu.vector_store_idx %arg7[%add3A_863, %broadcast_in_dim3A_918], %gather3A_916 : memref<256x10xf32, #tpu.memory_space<vmem>>[vector<16xi32>, vector<16xi32>], vector<16xf32>,
    %add3A_919 = arith.constant 8 : i32
    %add3A_920 = vector.broadcast %add3A_919 : i32 to vector<16xi32>
    %add3A_921 = arith.addi %mul3A_870, %add3A_920 : vector<16xi32>
    %gather3A_922 = tpu.vector_load_idx %arg6[%add3A_863, %add3A_921] : memref<256x80xf32, #tpu.memory_space<vmem>>[vector<16xi32>, vector<16xi32>], vector<16xf32>,
    %broadcast_in_dim3A_923 = arith.constant 8 : i32
    %broadcast_in_dim3A_924 = vector.broadcast %broadcast_in_dim3A_923 : i32 to vector<16xi32>
    tpu.vector_store_idx %arg7[%add3A_863, %broadcast_in_dim3A_924], %gather3A_922 : memref<256x10xf32, #tpu.memory_space<vmem>>[vector<16xi32>, vector<16xi32>], vector<16xf32>,
    %add3A_925 = arith.constant 9 : i32
    %add3A_926 = vector.broadcast %add3A_925 : i32 to vector<16xi32>
    %add3A_927 = arith.addi %mul3A_870, %add3A_926 : vector<16xi32>
    %gather3A_928 = tpu.vector_load_idx %arg6[%add3A_863, %add3A_927] : memref<256x80xf32, #tpu.memory_space<vmem>>[vector<16xi32>, vector<16xi32>], vector<16xf32>,
    %broadcast_in_dim3A_929 = arith.constant 9 : i32
    %broadcast_in_dim3A_930 = vector.broadcast %broadcast_in_dim3A_929 : i32 to vector<16xi32>
    tpu.vector_store_idx %arg7[%add3A_863, %broadcast_in_dim3A_930], %gather3A_928 : memref<256x10xf32, #tpu.memory_space<vmem>>[vector<16xi32>, vector<16xi32>], vector<16xf32>,
    %scan3A_931 = arith.constant 0 : i32
    %scan3A_932 = arith.constant 12 : i32
    %mul3A_933 = arith.constant 16 : i32
    %mul3A_934 = arith.muli %scan3A_932, %mul3A_933 : i32
    %add3A_935 = vector.broadcast %mul3A_934 : i32 to vector<16xi32>
    %add3A_936 = arith.addi %add3A_935, %iota3A : vector<16xi32>
    %mul3A_937 = arith.constant 16 : i32
    %mul3A_938 = arith.muli %scan3A_932, %mul3A_937 : i32
    %get3A_939 = arith.index_cast %mul3A_938 : i32 to index
    %get3A_940 = tpu.vector_load %arg5[%get3A_939] {strides = array<i32>} : memref<256xi32, #tpu.memory_space<vmem>>, vector<16xi32>,
    %mul3A_941 = arith.constant 10 : i32
    %mul3A_942 = vector.broadcast %mul3A_941 : i32 to vector<16xi32>
    %mul3A_943 = arith.muli %get3A_940, %mul3A_942 : vector<16xi32>
    %add3A_944 = arith.constant 0 : i32
    %add3A_945 = vector.broadcast %add3A_944 : i32 to vector<16xi32>
    %add3A_946 = arith.addi %mul3A_943, %add3A_945 : vector<16xi32>
    %gather3A_947 = tpu.vector_load_idx %arg6[%add3A_936, %add3A_946] : memref<256x80xf32, #tpu.memory_space<vmem>>[vector<16xi32>, vector<16xi32>], vector<16xf32>,
    %broadcast_in_dim3A_948 = arith.constant 0 : i32
    %broadcast_in_dim3A_949 = vector.broadcast %broadcast_in_dim3A_948 : i32 to vector<16xi32>
    tpu.vector_store_idx %arg7[%add3A_936, %broadcast_in_dim3A_949], %gather3A_947 : memref<256x10xf32, #tpu.memory_space<vmem>>[vector<16xi32>, vector<16xi32>], vector<16xf32>,
    %add3A_950 = arith.constant 1 : i32
    %add3A_951 = vector.broadcast %add3A_950 : i32 to vector<16xi32>
    %add3A_952 = arith.addi %mul3A_943, %add3A_951 : vector<16xi32>
    %gather3A_953 = tpu.vector_load_idx %arg6[%add3A_936, %add3A_952] : memref<256x80xf32, #tpu.memory_space<vmem>>[vector<16xi32>, vector<16xi32>], vector<16xf32>,
    %broadcast_in_dim3A_954 = arith.constant 1 : i32
    %broadcast_in_dim3A_955 = vector.broadcast %broadcast_in_dim3A_954 : i32 to vector<16xi32>
    tpu.vector_store_idx %arg7[%add3A_936, %broadcast_in_dim3A_955], %gather3A_953 : memref<256x10xf32, #tpu.memory_space<vmem>>[vector<16xi32>, vector<16xi32>], vector<16xf32>,
    %add3A_956 = arith.constant 2 : i32
    %add3A_957 = vector.broadcast %add3A_956 : i32 to vector<16xi32>
    %add3A_958 = arith.addi %mul3A_943, %add3A_957 : vector<16xi32>
    %gather3A_959 = tpu.vector_load_idx %arg6[%add3A_936, %add3A_958] : memref<256x80xf32, #tpu.memory_space<vmem>>[vector<16xi32>, vector<16xi32>], vector<16xf32>,
    %broadcast_in_dim3A_960 = arith.constant 2 : i32
    %broadcast_in_dim3A_961 = vector.broadcast %broadcast_in_dim3A_960 : i32 to vector<16xi32>
    tpu.vector_store_idx %arg7[%add3A_936, %broadcast_in_dim3A_961], %gather3A_959 : memref<256x10xf32, #tpu.memory_space<vmem>>[vector<16xi32>, vector<16xi32>], vector<16xf32>,
    %add3A_962 = arith.constant 3 : i32
    %add3A_963 = vector.broadcast %add3A_962 : i32 to vector<16xi32>
    %add3A_964 = arith.addi %mul3A_943, %add3A_963 : vector<16xi32>
    %gather3A_965 = tpu.vector_load_idx %arg6[%add3A_936, %add3A_964] : memref<256x80xf32, #tpu.memory_space<vmem>>[vector<16xi32>, vector<16xi32>], vector<16xf32>,
    %broadcast_in_dim3A_966 = arith.constant 3 : i32
    %broadcast_in_dim3A_967 = vector.broadcast %broadcast_in_dim3A_966 : i32 to vector<16xi32>
    tpu.vector_store_idx %arg7[%add3A_936, %broadcast_in_dim3A_967], %gather3A_965 : memref<256x10xf32, #tpu.memory_space<vmem>>[vector<16xi32>, vector<16xi32>], vector<16xf32>,
    %add3A_968 = arith.constant 4 : i32
    %add3A_969 = vector.broadcast %add3A_968 : i32 to vector<16xi32>
    %add3A_970 = arith.addi %mul3A_943, %add3A_969 : vector<16xi32>
    %gather3A_971 = tpu.vector_load_idx %arg6[%add3A_936, %add3A_970] : memref<256x80xf32, #tpu.memory_space<vmem>>[vector<16xi32>, vector<16xi32>], vector<16xf32>,
    %broadcast_in_dim3A_972 = arith.constant 4 : i32
    %broadcast_in_dim3A_973 = vector.broadcast %broadcast_in_dim3A_972 : i32 to vector<16xi32>
    tpu.vector_store_idx %arg7[%add3A_936, %broadcast_in_dim3A_973], %gather3A_971 : memref<256x10xf32, #tpu.memory_space<vmem>>[vector<16xi32>, vector<16xi32>], vector<16xf32>,
    %add3A_974 = arith.constant 5 : i32
    %add3A_975 = vector.broadcast %add3A_974 : i32 to vector<16xi32>
    %add3A_976 = arith.addi %mul3A_943, %add3A_975 : vector<16xi32>
    %gather3A_977 = tpu.vector_load_idx %arg6[%add3A_936, %add3A_976] : memref<256x80xf32, #tpu.memory_space<vmem>>[vector<16xi32>, vector<16xi32>], vector<16xf32>,
    %broadcast_in_dim3A_978 = arith.constant 5 : i32
    %broadcast_in_dim3A_979 = vector.broadcast %broadcast_in_dim3A_978 : i32 to vector<16xi32>
    tpu.vector_store_idx %arg7[%add3A_936, %broadcast_in_dim3A_979], %gather3A_977 : memref<256x10xf32, #tpu.memory_space<vmem>>[vector<16xi32>, vector<16xi32>], vector<16xf32>,
    %add3A_980 = arith.constant 6 : i32
    %add3A_981 = vector.broadcast %add3A_980 : i32 to vector<16xi32>
    %add3A_982 = arith.addi %mul3A_943, %add3A_981 : vector<16xi32>
    %gather3A_983 = tpu.vector_load_idx %arg6[%add3A_936, %add3A_982] : memref<256x80xf32, #tpu.memory_space<vmem>>[vector<16xi32>, vector<16xi32>], vector<16xf32>,
    %broadcast_in_dim3A_984 = arith.constant 6 : i32
    %broadcast_in_dim3A_985 = vector.broadcast %broadcast_in_dim3A_984 : i32 to vector<16xi32>
    tpu.vector_store_idx %arg7[%add3A_936, %broadcast_in_dim3A_985], %gather3A_983 : memref<256x10xf32, #tpu.memory_space<vmem>>[vector<16xi32>, vector<16xi32>], vector<16xf32>,
    %add3A_986 = arith.constant 7 : i32
    %add3A_987 = vector.broadcast %add3A_986 : i32 to vector<16xi32>
    %add3A_988 = arith.addi %mul3A_943, %add3A_987 : vector<16xi32>
    %gather3A_989 = tpu.vector_load_idx %arg6[%add3A_936, %add3A_988] : memref<256x80xf32, #tpu.memory_space<vmem>>[vector<16xi32>, vector<16xi32>], vector<16xf32>,
    %broadcast_in_dim3A_990 = arith.constant 7 : i32
    %broadcast_in_dim3A_991 = vector.broadcast %broadcast_in_dim3A_990 : i32 to vector<16xi32>
    tpu.vector_store_idx %arg7[%add3A_936, %broadcast_in_dim3A_991], %gather3A_989 : memref<256x10xf32, #tpu.memory_space<vmem>>[vector<16xi32>, vector<16xi32>], vector<16xf32>,
    %add3A_992 = arith.constant 8 : i32
    %add3A_993 = vector.broadcast %add3A_992 : i32 to vector<16xi32>
    %add3A_994 = arith.addi %mul3A_943, %add3A_993 : vector<16xi32>
    %gather3A_995 = tpu.vector_load_idx %arg6[%add3A_936, %add3A_994] : memref<256x80xf32, #tpu.memory_space<vmem>>[vector<16xi32>, vector<16xi32>], vector<16xf32>,
    %broadcast_in_dim3A_996 = arith.constant 8 : i32
    %broadcast_in_dim3A_997 = vector.broadcast %broadcast_in_dim3A_996 : i32 to vector<16xi32>
    tpu.vector_store_idx %arg7[%add3A_936, %broadcast_in_dim3A_997], %gather3A_995 : memref<256x10xf32, #tpu.memory_space<vmem>>[vector<16xi32>, vector<16xi32>], vector<16xf32>,
    %add3A_998 = arith.constant 9 : i32
    %add3A_999 = vector.broadcast %add3A_998 : i32 to vector<16xi32>
    %add3A_1000 = arith.addi %mul3A_943, %add3A_999 : vector<16xi32>
    %gather3A_1001 = tpu.vector_load_idx %arg6[%add3A_936, %add3A_1000] : memref<256x80xf32, #tpu.memory_space<vmem>>[vector<16xi32>, vector<16xi32>], vector<16xf32>,
    %broadcast_in_dim3A_1002 = arith.constant 9 : i32
    %broadcast_in_dim3A_1003 = vector.broadcast %broadcast_in_dim3A_1002 : i32 to vector<16xi32>
    tpu.vector_store_idx %arg7[%add3A_936, %broadcast_in_dim3A_1003], %gather3A_1001 : memref<256x10xf32, #tpu.memory_space<vmem>>[vector<16xi32>, vector<16xi32>], vector<16xf32>,
    %scan3A_1004 = arith.constant 0 : i32
    %scan3A_1005 = arith.constant 13 : i32
    %mul3A_1006 = arith.constant 16 : i32
    %mul3A_1007 = arith.muli %scan3A_1005, %mul3A_1006 : i32
    %add3A_1008 = vector.broadcast %mul3A_1007 : i32 to vector<16xi32>
    %add3A_1009 = arith.addi %add3A_1008, %iota3A : vector<16xi32>
    %mul3A_1010 = arith.constant 16 : i32
    %mul3A_1011 = arith.muli %scan3A_1005, %mul3A_1010 : i32
    %get3A_1012 = arith.index_cast %mul3A_1011 : i32 to index
    %get3A_1013 = tpu.vector_load %arg5[%get3A_1012] {strides = array<i32>} : memref<256xi32, #tpu.memory_space<vmem>>, vector<16xi32>,
    %mul3A_1014 = arith.constant 10 : i32
    %mul3A_1015 = vector.broadcast %mul3A_1014 : i32 to vector<16xi32>
    %mul3A_1016 = arith.muli %get3A_1013, %mul3A_1015 : vector<16xi32>
    %add3A_1017 = arith.constant 0 : i32
    %add3A_1018 = vector.broadcast %add3A_1017 : i32 to vector<16xi32>
    %add3A_1019 = arith.addi %mul3A_1016, %add3A_1018 : vector<16xi32>
    %gather3A_1020 = tpu.vector_load_idx %arg6[%add3A_1009, %add3A_1019] : memref<256x80xf32, #tpu.memory_space<vmem>>[vector<16xi32>, vector<16xi32>], vector<16xf32>,
    %broadcast_in_dim3A_1021 = arith.constant 0 : i32
    %broadcast_in_dim3A_1022 = vector.broadcast %broadcast_in_dim3A_1021 : i32 to vector<16xi32>
    tpu.vector_store_idx %arg7[%add3A_1009, %broadcast_in_dim3A_1022], %gather3A_1020 : memref<256x10xf32, #tpu.memory_space<vmem>>[vector<16xi32>, vector<16xi32>], vector<16xf32>,
    %add3A_1023 = arith.constant 1 : i32
    %add3A_1024 = vector.broadcast %add3A_1023 : i32 to vector<16xi32>
    %add3A_1025 = arith.addi %mul3A_1016, %add3A_1024 : vector<16xi32>
    %gather3A_1026 = tpu.vector_load_idx %arg6[%add3A_1009, %add3A_1025] : memref<256x80xf32, #tpu.memory_space<vmem>>[vector<16xi32>, vector<16xi32>], vector<16xf32>,
    %broadcast_in_dim3A_1027 = arith.constant 1 : i32
    %broadcast_in_dim3A_1028 = vector.broadcast %broadcast_in_dim3A_1027 : i32 to vector<16xi32>
    tpu.vector_store_idx %arg7[%add3A_1009, %broadcast_in_dim3A_1028], %gather3A_1026 : memref<256x10xf32, #tpu.memory_space<vmem>>[vector<16xi32>, vector<16xi32>], vector<16xf32>,
    %add3A_1029 = arith.constant 2 : i32
    %add3A_1030 = vector.broadcast %add3A_1029 : i32 to vector<16xi32>
    %add3A_1031 = arith.addi %mul3A_1016, %add3A_1030 : vector<16xi32>
    %gather3A_1032 = tpu.vector_load_idx %arg6[%add3A_1009, %add3A_1031] : memref<256x80xf32, #tpu.memory_space<vmem>>[vector<16xi32>, vector<16xi32>], vector<16xf32>,
    %broadcast_in_dim3A_1033 = arith.constant 2 : i32
    %broadcast_in_dim3A_1034 = vector.broadcast %broadcast_in_dim3A_1033 : i32 to vector<16xi32>
    tpu.vector_store_idx %arg7[%add3A_1009, %broadcast_in_dim3A_1034], %gather3A_1032 : memref<256x10xf32, #tpu.memory_space<vmem>>[vector<16xi32>, vector<16xi32>], vector<16xf32>,
    %add3A_1035 = arith.constant 3 : i32
    %add3A_1036 = vector.broadcast %add3A_1035 : i32 to vector<16xi32>
    %add3A_1037 = arith.addi %mul3A_1016, %add3A_1036 : vector<16xi32>
    %gather3A_1038 = tpu.vector_load_idx %arg6[%add3A_1009, %add3A_1037] : memref<256x80xf32, #tpu.memory_space<vmem>>[vector<16xi32>, vector<16xi32>], vector<16xf32>,
    %broadcast_in_dim3A_1039 = arith.constant 3 : i32
    %broadcast_in_dim3A_1040 = vector.broadcast %broadcast_in_dim3A_1039 : i32 to vector<16xi32>
    tpu.vector_store_idx %arg7[%add3A_1009, %broadcast_in_dim3A_1040], %gather3A_1038 : memref<256x10xf32, #tpu.memory_space<vmem>>[vector<16xi32>, vector<16xi32>], vector<16xf32>,
    %add3A_1041 = arith.constant 4 : i32
    %add3A_1042 = vector.broadcast %add3A_1041 : i32 to vector<16xi32>
    %add3A_1043 = arith.addi %mul3A_1016, %add3A_1042 : vector<16xi32>
    %gather3A_1044 = tpu.vector_load_idx %arg6[%add3A_1009, %add3A_1043] : memref<256x80xf32, #tpu.memory_space<vmem>>[vector<16xi32>, vector<16xi32>], vector<16xf32>,
    %broadcast_in_dim3A_1045 = arith.constant 4 : i32
    %broadcast_in_dim3A_1046 = vector.broadcast %broadcast_in_dim3A_1045 : i32 to vector<16xi32>
    tpu.vector_store_idx %arg7[%add3A_1009, %broadcast_in_dim3A_1046], %gather3A_1044 : memref<256x10xf32, #tpu.memory_space<vmem>>[vector<16xi32>, vector<16xi32>], vector<16xf32>,
    %add3A_1047 = arith.constant 5 : i32
    %add3A_1048 = vector.broadcast %add3A_1047 : i32 to vector<16xi32>
    %add3A_1049 = arith.addi %mul3A_1016, %add3A_1048 : vector<16xi32>
    %gather3A_1050 = tpu.vector_load_idx %arg6[%add3A_1009, %add3A_1049] : memref<256x80xf32, #tpu.memory_space<vmem>>[vector<16xi32>, vector<16xi32>], vector<16xf32>,
    %broadcast_in_dim3A_1051 = arith.constant 5 : i32
    %broadcast_in_dim3A_1052 = vector.broadcast %broadcast_in_dim3A_1051 : i32 to vector<16xi32>
    tpu.vector_store_idx %arg7[%add3A_1009, %broadcast_in_dim3A_1052], %gather3A_1050 : memref<256x10xf32, #tpu.memory_space<vmem>>[vector<16xi32>, vector<16xi32>], vector<16xf32>,
    %add3A_1053 = arith.constant 6 : i32
    %add3A_1054 = vector.broadcast %add3A_1053 : i32 to vector<16xi32>
    %add3A_1055 = arith.addi %mul3A_1016, %add3A_1054 : vector<16xi32>
    %gather3A_1056 = tpu.vector_load_idx %arg6[%add3A_1009, %add3A_1055] : memref<256x80xf32, #tpu.memory_space<vmem>>[vector<16xi32>, vector<16xi32>], vector<16xf32>,
    %broadcast_in_dim3A_1057 = arith.constant 6 : i32
    %broadcast_in_dim3A_1058 = vector.broadcast %broadcast_in_dim3A_1057 : i32 to vector<16xi32>
    tpu.vector_store_idx %arg7[%add3A_1009, %broadcast_in_dim3A_1058], %gather3A_1056 : memref<256x10xf32, #tpu.memory_space<vmem>>[vector<16xi32>, vector<16xi32>], vector<16xf32>,
    %add3A_1059 = arith.constant 7 : i32
    %add3A_1060 = vector.broadcast %add3A_1059 : i32 to vector<16xi32>
    %add3A_1061 = arith.addi %mul3A_1016, %add3A_1060 : vector<16xi32>
    %gather3A_1062 = tpu.vector_load_idx %arg6[%add3A_1009, %add3A_1061] : memref<256x80xf32, #tpu.memory_space<vmem>>[vector<16xi32>, vector<16xi32>], vector<16xf32>,
    %broadcast_in_dim3A_1063 = arith.constant 7 : i32
    %broadcast_in_dim3A_1064 = vector.broadcast %broadcast_in_dim3A_1063 : i32 to vector<16xi32>
    tpu.vector_store_idx %arg7[%add3A_1009, %broadcast_in_dim3A_1064], %gather3A_1062 : memref<256x10xf32, #tpu.memory_space<vmem>>[vector<16xi32>, vector<16xi32>], vector<16xf32>,
    %add3A_1065 = arith.constant 8 : i32
    %add3A_1066 = vector.broadcast %add3A_1065 : i32 to vector<16xi32>
    %add3A_1067 = arith.addi %mul3A_1016, %add3A_1066 : vector<16xi32>
    %gather3A_1068 = tpu.vector_load_idx %arg6[%add3A_1009, %add3A_1067] : memref<256x80xf32, #tpu.memory_space<vmem>>[vector<16xi32>, vector<16xi32>], vector<16xf32>,
    %broadcast_in_dim3A_1069 = arith.constant 8 : i32
    %broadcast_in_dim3A_1070 = vector.broadcast %broadcast_in_dim3A_1069 : i32 to vector<16xi32>
    tpu.vector_store_idx %arg7[%add3A_1009, %broadcast_in_dim3A_1070], %gather3A_1068 : memref<256x10xf32, #tpu.memory_space<vmem>>[vector<16xi32>, vector<16xi32>], vector<16xf32>,
    %add3A_1071 = arith.constant 9 : i32
    %add3A_1072 = vector.broadcast %add3A_1071 : i32 to vector<16xi32>
    %add3A_1073 = arith.addi %mul3A_1016, %add3A_1072 : vector<16xi32>
    %gather3A_1074 = tpu.vector_load_idx %arg6[%add3A_1009, %add3A_1073] : memref<256x80xf32, #tpu.memory_space<vmem>>[vector<16xi32>, vector<16xi32>], vector<16xf32>,
    %broadcast_in_dim3A_1075 = arith.constant 9 : i32
    %broadcast_in_dim3A_1076 = vector.broadcast %broadcast_in_dim3A_1075 : i32 to vector<16xi32>
    tpu.vector_store_idx %arg7[%add3A_1009, %broadcast_in_dim3A_1076], %gather3A_1074 : memref<256x10xf32, #tpu.memory_space<vmem>>[vector<16xi32>, vector<16xi32>], vector<16xf32>,
    %scan3A_1077 = arith.constant 0 : i32
    %scan3A_1078 = arith.constant 14 : i32
    %mul3A_1079 = arith.constant 16 : i32
    %mul3A_1080 = arith.muli %scan3A_1078, %mul3A_1079 : i32
    %add3A_1081 = vector.broadcast %mul3A_1080 : i32 to vector<16xi32>
    %add3A_1082 = arith.addi %add3A_1081, %iota3A : vector<16xi32>
    %mul3A_1083 = arith.constant 16 : i32
    %mul3A_1084 = arith.muli %scan3A_1078, %mul3A_1083 : i32
    %get3A_1085 = arith.index_cast %mul3A_1084 : i32 to index
    %get3A_1086 = tpu.vector_load %arg5[%get3A_1085] {strides = array<i32>} : memref<256xi32, #tpu.memory_space<vmem>>, vector<16xi32>,
    %mul3A_1087 = arith.constant 10 : i32
    %mul3A_1088 = vector.broadcast %mul3A_1087 : i32 to vector<16xi32>
    %mul3A_1089 = arith.muli %get3A_1086, %mul3A_1088 : vector<16xi32>
    %add3A_1090 = arith.constant 0 : i32
    %add3A_1091 = vector.broadcast %add3A_1090 : i32 to vector<16xi32>
    %add3A_1092 = arith.addi %mul3A_1089, %add3A_1091 : vector<16xi32>
    %gather3A_1093 = tpu.vector_load_idx %arg6[%add3A_1082, %add3A_1092] : memref<256x80xf32, #tpu.memory_space<vmem>>[vector<16xi32>, vector<16xi32>], vector<16xf32>,
    %broadcast_in_dim3A_1094 = arith.constant 0 : i32
    %broadcast_in_dim3A_1095 = vector.broadcast %broadcast_in_dim3A_1094 : i32 to vector<16xi32>
    tpu.vector_store_idx %arg7[%add3A_1082, %broadcast_in_dim3A_1095], %gather3A_1093 : memref<256x10xf32, #tpu.memory_space<vmem>>[vector<16xi32>, vector<16xi32>], vector<16xf32>,
    %add3A_1096 = arith.constant 1 : i32
    %add3A_1097 = vector.broadcast %add3A_1096 : i32 to vector<16xi32>
    %add3A_1098 = arith.addi %mul3A_1089, %add3A_1097 : vector<16xi32>
    %gather3A_1099 = tpu.vector_load_idx %arg6[%add3A_1082, %add3A_1098] : memref<256x80xf32, #tpu.memory_space<vmem>>[vector<16xi32>, vector<16xi32>], vector<16xf32>,
    %broadcast_in_dim3A_1100 = arith.constant 1 : i32
    %broadcast_in_dim3A_1101 = vector.broadcast %broadcast_in_dim3A_1100 : i32 to vector<16xi32>
    tpu.vector_store_idx %arg7[%add3A_1082, %broadcast_in_dim3A_1101], %gather3A_1099 : memref<256x10xf32, #tpu.memory_space<vmem>>[vector<16xi32>, vector<16xi32>], vector<16xf32>,
    %add3A_1102 = arith.constant 2 : i32
    %add3A_1103 = vector.broadcast %add3A_1102 : i32 to vector<16xi32>
    %add3A_1104 = arith.addi %mul3A_1089, %add3A_1103 : vector<16xi32>
    %gather3A_1105 = tpu.vector_load_idx %arg6[%add3A_1082, %add3A_1104] : memref<256x80xf32, #tpu.memory_space<vmem>>[vector<16xi32>, vector<16xi32>], vector<16xf32>,
    %broadcast_in_dim3A_1106 = arith.constant 2 : i32
    %broadcast_in_dim3A_1107 = vector.broadcast %broadcast_in_dim3A_1106 : i32 to vector<16xi32>
    tpu.vector_store_idx %arg7[%add3A_1082, %broadcast_in_dim3A_1107], %gather3A_1105 : memref<256x10xf32, #tpu.memory_space<vmem>>[vector<16xi32>, vector<16xi32>], vector<16xf32>,
    %add3A_1108 = arith.constant 3 : i32
    %add3A_1109 = vector.broadcast %add3A_1108 : i32 to vector<16xi32>
    %add3A_1110 = arith.addi %mul3A_1089, %add3A_1109 : vector<16xi32>
    %gather3A_1111 = tpu.vector_load_idx %arg6[%add3A_1082, %add3A_1110] : memref<256x80xf32, #tpu.memory_space<vmem>>[vector<16xi32>, vector<16xi32>], vector<16xf32>,
    %broadcast_in_dim3A_1112 = arith.constant 3 : i32
    %broadcast_in_dim3A_1113 = vector.broadcast %broadcast_in_dim3A_1112 : i32 to vector<16xi32>
    tpu.vector_store_idx %arg7[%add3A_1082, %broadcast_in_dim3A_1113], %gather3A_1111 : memref<256x10xf32, #tpu.memory_space<vmem>>[vector<16xi32>, vector<16xi32>], vector<16xf32>,
    %add3A_1114 = arith.constant 4 : i32
    %add3A_1115 = vector.broadcast %add3A_1114 : i32 to vector<16xi32>
    %add3A_1116 = arith.addi %mul3A_1089, %add3A_1115 : vector<16xi32>
    %gather3A_1117 = tpu.vector_load_idx %arg6[%add3A_1082, %add3A_1116] : memref<256x80xf32, #tpu.memory_space<vmem>>[vector<16xi32>, vector<16xi32>], vector<16xf32>,
    %broadcast_in_dim3A_1118 = arith.constant 4 : i32
    %broadcast_in_dim3A_1119 = vector.broadcast %broadcast_in_dim3A_1118 : i32 to vector<16xi32>
    tpu.vector_store_idx %arg7[%add3A_1082, %broadcast_in_dim3A_1119], %gather3A_1117 : memref<256x10xf32, #tpu.memory_space<vmem>>[vector<16xi32>, vector<16xi32>], vector<16xf32>,
    %add3A_1120 = arith.constant 5 : i32
    %add3A_1121 = vector.broadcast %add3A_1120 : i32 to vector<16xi32>
    %add3A_1122 = arith.addi %mul3A_1089, %add3A_1121 : vector<16xi32>
    %gather3A_1123 = tpu.vector_load_idx %arg6[%add3A_1082, %add3A_1122] : memref<256x80xf32, #tpu.memory_space<vmem>>[vector<16xi32>, vector<16xi32>], vector<16xf32>,
    %broadcast_in_dim3A_1124 = arith.constant 5 : i32
    %broadcast_in_dim3A_1125 = vector.broadcast %broadcast_in_dim3A_1124 : i32 to vector<16xi32>
    tpu.vector_store_idx %arg7[%add3A_1082, %broadcast_in_dim3A_1125], %gather3A_1123 : memref<256x10xf32, #tpu.memory_space<vmem>>[vector<16xi32>, vector<16xi32>], vector<16xf32>,
    %add3A_1126 = arith.constant 6 : i32
    %add3A_1127 = vector.broadcast %add3A_1126 : i32 to vector<16xi32>
    %add3A_1128 = arith.addi %mul3A_1089, %add3A_1127 : vector<16xi32>
    %gather3A_1129 = tpu.vector_load_idx %arg6[%add3A_1082, %add3A_1128] : memref<256x80xf32, #tpu.memory_space<vmem>>[vector<16xi32>, vector<16xi32>], vector<16xf32>,
    %broadcast_in_dim3A_1130 = arith.constant 6 : i32
    %broadcast_in_dim3A_1131 = vector.broadcast %broadcast_in_dim3A_1130 : i32 to vector<16xi32>
    tpu.vector_store_idx %arg7[%add3A_1082, %broadcast_in_dim3A_1131], %gather3A_1129 : memref<256x10xf32, #tpu.memory_space<vmem>>[vector<16xi32>, vector<16xi32>], vector<16xf32>,
    %add3A_1132 = arith.constant 7 : i32
    %add3A_1133 = vector.broadcast %add3A_1132 : i32 to vector<16xi32>
    %add3A_1134 = arith.addi %mul3A_1089, %add3A_1133 : vector<16xi32>
    %gather3A_1135 = tpu.vector_load_idx %arg6[%add3A_1082, %add3A_1134] : memref<256x80xf32, #tpu.memory_space<vmem>>[vector<16xi32>, vector<16xi32>], vector<16xf32>,
    %broadcast_in_dim3A_1136 = arith.constant 7 : i32
    %broadcast_in_dim3A_1137 = vector.broadcast %broadcast_in_dim3A_1136 : i32 to vector<16xi32>
    tpu.vector_store_idx %arg7[%add3A_1082, %broadcast_in_dim3A_1137], %gather3A_1135 : memref<256x10xf32, #tpu.memory_space<vmem>>[vector<16xi32>, vector<16xi32>], vector<16xf32>,
    %add3A_1138 = arith.constant 8 : i32
    %add3A_1139 = vector.broadcast %add3A_1138 : i32 to vector<16xi32>
    %add3A_1140 = arith.addi %mul3A_1089, %add3A_1139 : vector<16xi32>
    %gather3A_1141 = tpu.vector_load_idx %arg6[%add3A_1082, %add3A_1140] : memref<256x80xf32, #tpu.memory_space<vmem>>[vector<16xi32>, vector<16xi32>], vector<16xf32>,
    %broadcast_in_dim3A_1142 = arith.constant 8 : i32
    %broadcast_in_dim3A_1143 = vector.broadcast %broadcast_in_dim3A_1142 : i32 to vector<16xi32>
    tpu.vector_store_idx %arg7[%add3A_1082, %broadcast_in_dim3A_1143], %gather3A_1141 : memref<256x10xf32, #tpu.memory_space<vmem>>[vector<16xi32>, vector<16xi32>], vector<16xf32>,
    %add3A_1144 = arith.constant 9 : i32
    %add3A_1145 = vector.broadcast %add3A_1144 : i32 to vector<16xi32>
    %add3A_1146 = arith.addi %mul3A_1089, %add3A_1145 : vector<16xi32>
    %gather3A_1147 = tpu.vector_load_idx %arg6[%add3A_1082, %add3A_1146] : memref<256x80xf32, #tpu.memory_space<vmem>>[vector<16xi32>, vector<16xi32>], vector<16xf32>,
    %broadcast_in_dim3A_1148 = arith.constant 9 : i32
    %broadcast_in_dim3A_1149 = vector.broadcast %broadcast_in_dim3A_1148 : i32 to vector<16xi32>
    tpu.vector_store_idx %arg7[%add3A_1082, %broadcast_in_dim3A_1149], %gather3A_1147 : memref<256x10xf32, #tpu.memory_space<vmem>>[vector<16xi32>, vector<16xi32>], vector<16xf32>,
    %scan3A_1150 = arith.constant 0 : i32
    %scan3A_1151 = arith.constant 15 : i32
    %mul3A_1152 = arith.constant 16 : i32
    %mul3A_1153 = arith.muli %scan3A_1151, %mul3A_1152 : i32
    %add3A_1154 = vector.broadcast %mul3A_1153 : i32 to vector<16xi32>
    %add3A_1155 = arith.addi %add3A_1154, %iota3A : vector<16xi32>
    %mul3A_1156 = arith.constant 16 : i32
    %mul3A_1157 = arith.muli %scan3A_1151, %mul3A_1156 : i32
    %get3A_1158 = arith.index_cast %mul3A_1157 : i32 to index
    %get3A_1159 = tpu.vector_load %arg5[%get3A_1158] {strides = array<i32>} : memref<256xi32, #tpu.memory_space<vmem>>, vector<16xi32>,
    %mul3A_1160 = arith.constant 10 : i32
    %mul3A_1161 = vector.broadcast %mul3A_1160 : i32 to vector<16xi32>
    %mul3A_1162 = arith.muli %get3A_1159, %mul3A_1161 : vector<16xi32>
    %add3A_1163 = arith.constant 0 : i32
    %add3A_1164 = vector.broadcast %add3A_1163 : i32 to vector<16xi32>
    %add3A_1165 = arith.addi %mul3A_1162, %add3A_1164 : vector<16xi32>
    %gather3A_1166 = tpu.vector_load_idx %arg6[%add3A_1155, %add3A_1165] : memref<256x80xf32, #tpu.memory_space<vmem>>[vector<16xi32>, vector<16xi32>], vector<16xf32>,
    %broadcast_in_dim3A_1167 = arith.constant 0 : i32
    %broadcast_in_dim3A_1168 = vector.broadcast %broadcast_in_dim3A_1167 : i32 to vector<16xi32>
    tpu.vector_store_idx %arg7[%add3A_1155, %broadcast_in_dim3A_1168], %gather3A_1166 : memref<256x10xf32, #tpu.memory_space<vmem>>[vector<16xi32>, vector<16xi32>], vector<16xf32>,
    %add3A_1169 = arith.constant 1 : i32
    %add3A_1170 = vector.broadcast %add3A_1169 : i32 to vector<16xi32>
    %add3A_1171 = arith.addi %mul3A_1162, %add3A_1170 : vector<16xi32>
    %gather3A_1172 = tpu.vector_load_idx %arg6[%add3A_1155, %add3A_1171] : memref<256x80xf32, #tpu.memory_space<vmem>>[vector<16xi32>, vector<16xi32>], vector<16xf32>,
    %broadcast_in_dim3A_1173 = arith.constant 1 : i32
    %broadcast_in_dim3A_1174 = vector.broadcast %broadcast_in_dim3A_1173 : i32 to vector<16xi32>
    tpu.vector_store_idx %arg7[%add3A_1155, %broadcast_in_dim3A_1174], %gather3A_1172 : memref<256x10xf32, #tpu.memory_space<vmem>>[vector<16xi32>, vector<16xi32>], vector<16xf32>,
    %add3A_1175 = arith.constant 2 : i32
    %add3A_1176 = vector.broadcast %add3A_1175 : i32 to vector<16xi32>
    %add3A_1177 = arith.addi %mul3A_1162, %add3A_1176 : vector<16xi32>
    %gather3A_1178 = tpu.vector_load_idx %arg6[%add3A_1155, %add3A_1177] : memref<256x80xf32, #tpu.memory_space<vmem>>[vector<16xi32>, vector<16xi32>], vector<16xf32>,
    %broadcast_in_dim3A_1179 = arith.constant 2 : i32
    %broadcast_in_dim3A_1180 = vector.broadcast %broadcast_in_dim3A_1179 : i32 to vector<16xi32>
    tpu.vector_store_idx %arg7[%add3A_1155, %broadcast_in_dim3A_1180], %gather3A_1178 : memref<256x10xf32, #tpu.memory_space<vmem>>[vector<16xi32>, vector<16xi32>], vector<16xf32>,
    %add3A_1181 = arith.constant 3 : i32
    %add3A_1182 = vector.broadcast %add3A_1181 : i32 to vector<16xi32>
    %add3A_1183 = arith.addi %mul3A_1162, %add3A_1182 : vector<16xi32>
    %gather3A_1184 = tpu.vector_load_idx %arg6[%add3A_1155, %add3A_1183] : memref<256x80xf32, #tpu.memory_space<vmem>>[vector<16xi32>, vector<16xi32>], vector<16xf32>,
    %broadcast_in_dim3A_1185 = arith.constant 3 : i32
    %broadcast_in_dim3A_1186 = vector.broadcast %broadcast_in_dim3A_1185 : i32 to vector<16xi32>
    tpu.vector_store_idx %arg7[%add3A_1155, %broadcast_in_dim3A_1186], %gather3A_1184 : memref<256x10xf32, #tpu.memory_space<vmem>>[vector<16xi32>, vector<16xi32>], vector<16xf32>,
    %add3A_1187 = arith.constant 4 : i32
    %add3A_1188 = vector.broadcast %add3A_1187 : i32 to vector<16xi32>
    %add3A_1189 = arith.addi %mul3A_1162, %add3A_1188 : vector<16xi32>
    %gather3A_1190 = tpu.vector_load_idx %arg6[%add3A_1155, %add3A_1189] : memref<256x80xf32, #tpu.memory_space<vmem>>[vector<16xi32>, vector<16xi32>], vector<16xf32>,
    %broadcast_in_dim3A_1191 = arith.constant 4 : i32
    %broadcast_in_dim3A_1192 = vector.broadcast %broadcast_in_dim3A_1191 : i32 to vector<16xi32>
    tpu.vector_store_idx %arg7[%add3A_1155, %broadcast_in_dim3A_1192], %gather3A_1190 : memref<256x10xf32, #tpu.memory_space<vmem>>[vector<16xi32>, vector<16xi32>], vector<16xf32>,
    %add3A_1193 = arith.constant 5 : i32
    %add3A_1194 = vector.broadcast %add3A_1193 : i32 to vector<16xi32>
    %add3A_1195 = arith.addi %mul3A_1162, %add3A_1194 : vector<16xi32>
    %gather3A_1196 = tpu.vector_load_idx %arg6[%add3A_1155, %add3A_1195] : memref<256x80xf32, #tpu.memory_space<vmem>>[vector<16xi32>, vector<16xi32>], vector<16xf32>,
    %broadcast_in_dim3A_1197 = arith.constant 5 : i32
    %broadcast_in_dim3A_1198 = vector.broadcast %broadcast_in_dim3A_1197 : i32 to vector<16xi32>
    tpu.vector_store_idx %arg7[%add3A_1155, %broadcast_in_dim3A_1198], %gather3A_1196 : memref<256x10xf32, #tpu.memory_space<vmem>>[vector<16xi32>, vector<16xi32>], vector<16xf32>,
    %add3A_1199 = arith.constant 6 : i32
    %add3A_1200 = vector.broadcast %add3A_1199 : i32 to vector<16xi32>
    %add3A_1201 = arith.addi %mul3A_1162, %add3A_1200 : vector<16xi32>
    %gather3A_1202 = tpu.vector_load_idx %arg6[%add3A_1155, %add3A_1201] : memref<256x80xf32, #tpu.memory_space<vmem>>[vector<16xi32>, vector<16xi32>], vector<16xf32>,
    %broadcast_in_dim3A_1203 = arith.constant 6 : i32
    %broadcast_in_dim3A_1204 = vector.broadcast %broadcast_in_dim3A_1203 : i32 to vector<16xi32>
    tpu.vector_store_idx %arg7[%add3A_1155, %broadcast_in_dim3A_1204], %gather3A_1202 : memref<256x10xf32, #tpu.memory_space<vmem>>[vector<16xi32>, vector<16xi32>], vector<16xf32>,
    %add3A_1205 = arith.constant 7 : i32
    %add3A_1206 = vector.broadcast %add3A_1205 : i32 to vector<16xi32>
    %add3A_1207 = arith.addi %mul3A_1162, %add3A_1206 : vector<16xi32>
    %gather3A_1208 = tpu.vector_load_idx %arg6[%add3A_1155, %add3A_1207] : memref<256x80xf32, #tpu.memory_space<vmem>>[vector<16xi32>, vector<16xi32>], vector<16xf32>,
    %broadcast_in_dim3A_1209 = arith.constant 7 : i32
    %broadcast_in_dim3A_1210 = vector.broadcast %broadcast_in_dim3A_1209 : i32 to vector<16xi32>
    tpu.vector_store_idx %arg7[%add3A_1155, %broadcast_in_dim3A_1210], %gather3A_1208 : memref<256x10xf32, #tpu.memory_space<vmem>>[vector<16xi32>, vector<16xi32>], vector<16xf32>,
    %add3A_1211 = arith.constant 8 : i32
    %add3A_1212 = vector.broadcast %add3A_1211 : i32 to vector<16xi32>
    %add3A_1213 = arith.addi %mul3A_1162, %add3A_1212 : vector<16xi32>
    %gather3A_1214 = tpu.vector_load_idx %arg6[%add3A_1155, %add3A_1213] : memref<256x80xf32, #tpu.memory_space<vmem>>[vector<16xi32>, vector<16xi32>], vector<16xf32>,
    %broadcast_in_dim3A_1215 = arith.constant 8 : i32
    %broadcast_in_dim3A_1216 = vector.broadcast %broadcast_in_dim3A_1215 : i32 to vector<16xi32>
    tpu.vector_store_idx %arg7[%add3A_1155, %broadcast_in_dim3A_1216], %gather3A_1214 : memref<256x10xf32, #tpu.memory_space<vmem>>[vector<16xi32>, vector<16xi32>], vector<16xf32>,
    %add3A_1217 = arith.constant 9 : i32
    %add3A_1218 = vector.broadcast %add3A_1217 : i32 to vector<16xi32>
    %add3A_1219 = arith.addi %mul3A_1162, %add3A_1218 : vector<16xi32>
    %gather3A_1220 = tpu.vector_load_idx %arg6[%add3A_1155, %add3A_1219] : memref<256x80xf32, #tpu.memory_space<vmem>>[vector<16xi32>, vector<16xi32>], vector<16xf32>,
    %broadcast_in_dim3A_1221 = arith.constant 9 : i32
    %broadcast_in_dim3A_1222 = vector.broadcast %broadcast_in_dim3A_1221 : i32 to vector<16xi32>
    tpu.vector_store_idx %arg7[%add3A_1155, %broadcast_in_dim3A_1222], %gather3A_1220 : memref<256x10xf32, #tpu.memory_space<vmem>>[vector<16xi32>, vector<16xi32>], vector<16xf32>,
    %scan3A_1223 = arith.constant 0 : i32
    %scan3A_1224 = arith.constant 8 : i32
    %dma_wait3A_1225 = arith.constant 0 : i32
    %dma_wait3A_1226 = arith.constant 0 : i32
    %dma_wait3A_1227 = tpu.memref_slice %arg7[%dma_wait3A_1225, %dma_wait3A_1226] : memref<256x10xf32, #tpu.memory_space<vmem>> -> memref<128x10xf32, #tpu.memory_space<vmem>>
    %dma_wait3A_1228 = arith.constant 0 : i32
    %dma_wait3A_1229 = tpu.memref_slice %arg4[%mul3A_2, %dma_wait3A_1228] : memref<8192x10xf32, #tpu.memory_space<hbm>> -> memref<128x10xf32, #tpu.memory_space<hbm>>
    %dma_wait3A_1230 = arith.constant 0 : i32
    %dma_wait3A_1231 = tpu.memref_slice %arg4[%mul3A_2, %dma_wait3A_1230] : memref<8192x10xf32, #tpu.memory_space<hbm>> -> memref<128x10xf32, #tpu.memory_space<hbm>>
    %dma_wait3A_1232 = arith.constant 0 : i32
    %dma_wait3A_1233 = arith.constant 0 : i32
    %dma_wait3A_1234 = tpu.memref_slice %arg7[%dma_wait3A_1232, %dma_wait3A_1233] : memref<256x10xf32, #tpu.memory_space<vmem>> -> memref<128x10xf32, #tpu.memory_space<vmem>>
    tpu.wait_dma2 semaphore(%arg8 : memref<!tpu.dma_semaphore, #tpu.memory_space<semaphore_mem>>) src(%dma_wait3A_1234 : memref<128x10xf32, #tpu.memory_space<vmem>>) dst(%dma_wait3A_1231 : memref<128x10xf32, #tpu.memory_space<hbm>>)
    %add3A_1235 = arith.constant 128 : i32
    %add3A_1236 = arith.addi %mul3A_2, %add3A_1235 : i32
    "tpu.region"() ({
      %run_scoped3A = tpu.sem_alloc : memref<!tpu.dma_semaphore, #tpu.memory_space<semaphore_mem>>
      %dma_start3A_1237 = arith.constant 128 : i32
      %dma_start3A_1238 = arith.constant 0 : i32
      %dma_start3A_1239 = tpu.memref_slice %arg7[%dma_start3A_1237, %dma_start3A_1238] : memref<256x10xf32, #tpu.memory_space<vmem>> -> memref<128x10xf32, #tpu.memory_space<vmem>>
      %dma_start3A_1240 = arith.constant 0 : i32
      %dma_start3A_1241 = tpu.memref_slice %arg4[%add3A_1236, %dma_start3A_1240] : memref<8192x10xf32, #tpu.memory_space<hbm>> -> memref<128x10xf32, #tpu.memory_space<hbm>>
      %dma_start3A_1242 = arith.constant 0 : i32
      %dma_start3A_1243 = tpu.memref_slice %arg4[%add3A_1236, %dma_start3A_1242] : memref<8192x10xf32, #tpu.memory_space<hbm>> -> memref<128x10xf32, #tpu.memory_space<hbm>>
      %dma_start3A_1244 = arith.constant 128 : i32
      %dma_start3A_1245 = arith.constant 0 : i32
      %dma_start3A_1246 = tpu.memref_slice %arg7[%dma_start3A_1244, %dma_start3A_1245] : memref<256x10xf32, #tpu.memory_space<vmem>> -> memref<128x10xf32, #tpu.memory_space<vmem>>
      tpu.enqueue_dma source(%dma_start3A_1246 : memref<128x10xf32, #tpu.memory_space<vmem>>) target(%dma_start3A_1243 : memref<128x10xf32, #tpu.memory_space<hbm>>) target_semaphore(%run_scoped3A : memref<!tpu.dma_semaphore, #tpu.memory_space<semaphore_mem>>)
      %dma_wait3A_1247 = arith.constant 128 : i32
      %dma_wait3A_1248 = arith.constant 0 : i32
      %dma_wait3A_1249 = tpu.memref_slice %arg7[%dma_wait3A_1247, %dma_wait3A_1248] : memref<256x10xf32, #tpu.memory_space<vmem>> -> memref<128x10xf32, #tpu.memory_space<vmem>>
      %dma_wait3A_1250 = arith.constant 0 : i32
      %dma_wait3A_1251 = tpu.memref_slice %arg4[%add3A_1236, %dma_wait3A_1250] : memref<8192x10xf32, #tpu.memory_space<hbm>> -> memref<128x10xf32, #tpu.memory_space<hbm>>
      %dma_wait3A_1252 = arith.constant 0 : i32
      %dma_wait3A_1253 = tpu.memref_slice %arg4[%add3A_1236, %dma_wait3A_1252] : memref<8192x10xf32, #tpu.memory_space<hbm>> -> memref<128x10xf32, #tpu.memory_space<hbm>>
      %dma_wait3A_1254 = arith.constant 128 : i32
      %dma_wait3A_1255 = arith.constant 0 : i32
      %dma_wait3A_1256 = tpu.memref_slice %arg7[%dma_wait3A_1254, %dma_wait3A_1255] : memref<256x10xf32, #tpu.memory_space<vmem>> -> memref<128x10xf32, #tpu.memory_space<vmem>>
      tpu.wait_dma2 semaphore(%run_scoped3A : memref<!tpu.dma_semaphore, #tpu.memory_space<semaphore_mem>>) src(%dma_wait3A_1256 : memref<128x10xf32, #tpu.memory_space<vmem>>) dst(%dma_wait3A_1253 : memref<128x10xf32, #tpu.memory_space<hbm>>)
      tpu.yield
    }) : () -> ()
    return
  }
}

module attributes {stable_mosaic.version = 14 : i64} {
  func.func @_tc_body(%arg0: i32, %arg1: memref<2048x768xf32, #tpu.memory_space<vmem>>, %arg2: memref<768x80xf32, #tpu.memory_space<vmem>>, %arg3: memref<1x80xf32, #tpu.memory_space<vmem>>, %arg4: memref<2048x80xf32, #tpu.memory_space<vmem>>) attributes {dimension_semantics = [#tpu.dimension_semantics<arbitrary>], iteration_bounds = array<i64: 4>, scalar_prefetch = 0 : i64, scratch_operands = 0 : i64, tpu.core_type = #tpu.core_type<tc>, window_params = [{transform_indices = @transform_0, window_bounds = array<i64: 2048, 768>}, {pipeline_mode = #tpu.pipeline_mode<synchronous>, transform_indices = @transform_1, window_bounds = array<i64: 768, 80>}, {pipeline_mode = #tpu.pipeline_mode<synchronous>, transform_indices = @transform_2, window_bounds = array<i64: 1, 80>}, {transform_indices = @transform_3, window_bounds = array<i64: 2048, 80>}]} {
    %get3A = arith.constant 0 : index
    %get3A_0 = arith.constant 0 : index
    %get3A_1 = vector.load %arg1[%get3A, %get3A_0] : memref<2048x768xf32, #tpu.memory_space<vmem>>, vector<2048x768xf32>
    %get3A_2 = arith.constant 0 : index
    %get3A_3 = arith.constant 0 : index
    %get3A_4 = vector.load %arg2[%get3A_2, %get3A_3] : memref<768x80xf32, #tpu.memory_space<vmem>>, vector<768x80xf32>
    %dot_general3A = arith.constant dense<0.000000e+00> : vector<2048x80xf32>
    %dot_general3A_5 = tpu.matmul %get3A_1, %get3A_4, %dot_general3A {dimension_numbers = #tpu.dot_dimension_numbers<[1], [0], [0], [1], [0, 0, 1, 1], [], []>, transpose_lhs_hint = false} : vector<2048x768xf32>, vector<768x80xf32>, vector<2048x80xf32> -> vector<2048x80xf32>
    %get3A_6 = arith.constant 0 : index
    %get3A_7 = arith.constant 0 : index
    %get3A_8 = vector.load %arg3[%get3A_6, %get3A_7] : memref<1x80xf32, #tpu.memory_space<vmem>>, vector<1x80xf32>
    %add3A = vector.broadcast %get3A_8 : vector<1x80xf32> to vector<2048x80xf32>
    %add3A_9 = arith.addf %dot_general3A_5, %add3A : vector<2048x80xf32>
    %swap3A = arith.constant 0 : index
    %swap3A_10 = arith.constant 0 : index
    %swap3A_11 = vector.load %arg4[%swap3A, %swap3A_10] : memref<2048x80xf32, #tpu.memory_space<vmem>>, vector<2048x80xf32>
    tpu.vector_store %arg4[%swap3A, %swap3A_10], %add3A_9 {strides = array<i32>} : memref<2048x80xf32, #tpu.memory_space<vmem>>, vector<2048x80xf32>,
    return
  }
  func.func @transform_0(%arg0: i32) -> (i32, i32) {
    %add3A = arith.constant 0 : i32
    %add3A_0 = arith.addi %arg0, %add3A : i32
    %c0_i32 = arith.constant 0 : i32
    %c0_i32_1 = arith.constant 0 : i32
    return %add3A_0, %c0_i32 : i32, i32
  }
  func.func @transform_1(%arg0: i32) -> (i32, i32) {
    %c0_i32 = arith.constant 0 : i32
    %c0_i32_0 = arith.constant 0 : i32
    %c0_i32_1 = arith.constant 0 : i32
    return %c0_i32, %c0_i32_0 : i32, i32
  }
  func.func @transform_2(%arg0: i32) -> (i32, i32) {
    %c0_i32 = arith.constant 0 : i32
    %c0_i32_0 = arith.constant 0 : i32
    %c0_i32_1 = arith.constant 0 : i32
    return %c0_i32, %c0_i32_0 : i32, i32
  }
  func.func @transform_3(%arg0: i32) -> (i32, i32) {
    %c0_i32 = arith.constant 0 : i32
    %c0_i32_0 = arith.constant 0 : i32
    return %arg0, %c0_i32 : i32, i32
  }
}

</mosaic_0001>

<sc_bundles>
// kernel: kernel.4.cloned.1.call-start
scs
__scs_entry_jumppad:
0x0: {  	(pc) =	sbr.rel $0x88, $3  }
0x1: {  	(tag) =	ssettag $0x0;
	lr =	simm.s32 $0x1  }
0x2: {  	[smem:$0x3F9D] =	sst lr;
	_ =	strace $0xD0000000  }
0x3: {  	_ = 	snop  }
0x4: {  	_ = 	snop  }
0x5: {  	_ = 	snop  }
0x6: {  	_ = 	snop  }
0x7: {  	_ = 	snop  }
__scs_overlays_trampoline_lowered:
0x8: {  	[smem:$0x3FAC] =	sst s0  }
0x9: {  	[smem:$0x3FAD] =	sst s1  }
0xa: {  	[smem:$0x3FAE] =	sst s2  }
0xb: {  	[smem:$0x3FAF] =	sst s3  }
0xc: {  	[smem:$0x3FB0] =	sst s4  }
0xd: {  	[smem:$0x3FB1] =	sst s5  }
0xe: {  	[smem:$0x3FB2] =	sst s6  }
0xf: {  	[smem:$0x3FB3] =	sst s7  }
0x10: {  	[smem:$0x3FB4] =	sst s8  }
0x11: {  	[smem:$0x3FB5] =	sst s9;
	s0 =	simm.s32 @!p0 $0x0  }
0x12: {  	s1 =	sld [smem:$0x3F9B];
	s0 =	simm.s32 @p0 $0x1  }
0x13: {  	[smem:$0x3FB6] =	sst s0;
	s0 =	simm.s32 @!p1 $0x0  }
0x14: {  	s2 =	sld [smem:$0x3F9A];
	s0 =	simm.s32 @p1 $0x1  }
0x15: {  	[smem:$0x3FB7] =	sst s0;
	s0 =	simm.s32 @!p2 $0x0  }
0x16: {  	s3 =	sld [smem:$0x3FDB];
	s0 =	simm.s32 @p2 $0x1  }
0x17: {  	s4 =	simm.s32 $0x1BF5;
	[smem:$0x3FB9] =	sst s0  }
0x18: {  	s0 =	sld [smem:$0x3F9C];
	_ =	swait.ge [sflag:s4], $0x0  }
0x19: {  	s7 =	sld [smem:$0x3F9D]  }
0x1a: {  	s8 =	sadd.s32 $0xFFFFE003, lr  }
0x1b: {  	s9 =	sadd.s32 $0xFFFFFEF7, lr;
	s5 =	simm.s32 $0xFFFFFFFF;
	p2 =	slt.u32 s8, $0xFFFFF086  }
0x1c: {  	p1 =	slt.u32 s9, $0xF7A;
	s5 =	simm.s32 @!p2 $0x0  }
0x1d: {  	s5 =	simm.s32 @p1 $0x1;
	p0 =	seq.s32 s7, s2  }
0x1e: {  	s7 =	smul.u32 @!p0 $0xF7A, s2;
	p2 =	seq.s32 @!p0 s5, $0x0  }
0x1f: {  	s9 =	smul.u32 $0xF7A, s1;
	s8 =	simm.s32 @!p0 $0x1BF5;
	p2 =	por !p2, p0  }
0x20: {  	[sflag:s8] =	ssyncset.s32 @!p0 $0xFFFFF086;
	s6 =	sadd.s32 @!p0 s3, s7;
	s7 =	simm.s32 @!p0 $0x108  }
0x21: {  	s3 =	sadd.s32 s3, s9;
	s6 =	sadd.s32 @!p0 $0x88, s6;
	s7 =	simm.s32 @p2 $0x1082  }
0x22: {  	[simem:s7], [sflag:s8] =	dma.local @!p0 [hbm:s6], $0xF7A  }
0x23: {  	s9 =	sor.u32 $0xD0000000, s2;
	s6 =	simm.s32 $0x108;
	_ =	swait.ge @!p0 [sflag:s8], $0x0  }
0x24: {  	s3 =	sadd.s32 $0x88, s3;
	s6 =	simm.s32 @!p1 $0x1082;
	[sflag:s4] =	ssyncset.s32 $0xFFFFF086  }
0x25: {  	[simem:s6], [sflag:s4] =	dma.local [hbm:s3], $0xF7A  }
0x26: {  	[smem:$0x3F9D] =	sst s1;
	(tag) =	ssettag s2;
	_ =	strace s9  }
0x27: {  	s1 =	sld [smem:$0x3FAD]  }
0x28: {  	s2 =	sld [smem:$0x3FAE]  }
0x29: {  	s4 =	sld [smem:$0x3FB0]  }
0x2a: {  	p0 =	seq.s32 s5, $0x0;
	s5 =	sld [smem:$0x3FB1]  }
0x2b: {  	s6 =	sld [smem:$0x3FB2]  }
0x2c: {  	s7 =	sld [smem:$0x3FB3]  }
0x2d: {  	s3 =	simm.s32 $0x108;
	s8 =	sld [smem:$0x3FB4]  }
0x2e: {  	s3 =	simm.s32 @!p0 $0x1082;
	s9 =	sld [smem:$0x3FB5]  }
0x2f: {  	lr =	sadd.s32 s0, s3;
	s0 =	sld [smem:$0x3FAC]  }
0x30: {  	s3 =	sld [smem:$0x3FAF]  }
0x31: {  	[smem:$0x3FB8] =	sst s10  }
0x32: {  	s10 =	sld [smem:$0x3FB6];
	_ =	sdelay $0x3  }
0x33: {  	p0 =	seq.s32 s10, $0x1;
	s10 =	sld [smem:$0x3FB8];
	_ =	sdelay $0x3  }
0x34: {  	[smem:$0x3FB8] =	sst s10  }
0x35: {  	s10 =	sld [smem:$0x3FB7];
	_ =	sdelay $0x3  }
0x36: {  	p1 =	seq.s32 s10, $0x1;
	s10 =	sld [smem:$0x3FB8];
	_ =	sdelay $0x3  }
0x37: {  	[smem:$0x3FB8] =	sst s10  }
0x38: {  	s10 =	sld [smem:$0x3FB9]  }
0x39: {  	_ = 	snop;
	(pc) =	sbr.ind lr, $3  }
0x3a: {  	_ = 	snop  }
0x3b: {  	_ = 	snop  }
0x3c: {  	p2 =	seq.s32 s10, $0x1;
	s10 =	sld [smem:$0x3FB8]  }
0x3d: {  	_ =	shalt  }
0x3e: {  	_ =	shalt  }
0x3f: {  	_ =	shalt  }
0x40: {  	_ =	shalt  }
0x41: {  	_ =	shalt  }
0x42: {  	_ =	shalt  }
0x43: {  	_ =	shalt  }
0x44: {  	_ =	shalt  }
0x45: {  	_ =	shalt  }
0x46: {  	_ =	shalt  }
0x47: {  	_ =	shalt  }
0x48: {  	_ =	shalt  }
0x49: {  	_ =	shalt  }
0x4a: {  	_ =	shalt  }
0x4b: {  	_ =	shalt  }
0x4c: {  	_ =	shalt  }
0x4d: {  	_ =	shalt  }
0x4e: {  	_ =	shalt  }
0x4f: {  	_ =	shalt  }
0x50: {  	_ =	shalt  }
0x51: {  	_ =	shalt  }
0x52: {  	_ =	shalt  }
0x53: {  	_ =	shalt  }
0x54: {  	_ =	shalt  }
0x55: {  	_ =	shalt  }
0x56: {  	_ =	shalt  }
0x57: {  	_ =	shalt  }
0x58: {  	_ =	shalt  }
0x59: {  	_ =	shalt  }
0x5a: {  	_ =	shalt  }
0x5b: {  	_ =	shalt  }
0x5c: {  	_ =	shalt  }
0x5d: {  	_ =	shalt  }
0x5e: {  	_ =	shalt  }
0x5f: {  	_ =	shalt  }
0x60: {  	_ =	shalt  }
0x61: {  	_ =	shalt  }
0x62: {  	_ =	shalt  }
0x63: {  	_ =	shalt  }
0x64: {  	_ =	shalt  }
0x65: {  	_ =	shalt  }
0x66: {  	_ =	shalt  }
0x67: {  	_ =	shalt  }
0x68: {  	_ =	shalt  }
0x69: {  	_ =	shalt  }
0x6a: {  	_ =	shalt  }
0x6b: {  	_ =	shalt  }
0x6c: {  	_ =	shalt  }
0x6d: {  	_ =	shalt  }
0x6e: {  	_ =	shalt  }
0x6f: {  	_ =	shalt  }
0x70: {  	_ =	shalt  }
0x71: {  	_ =	shalt  }
0x72: {  	_ =	shalt  }
0x73: {  	_ =	shalt  }
0x74: {  	_ =	shalt  }
0x75: {  	_ =	shalt  }
0x76: {  	_ =	shalt  }
0x77: {  	_ =	shalt  }
0x78: {  	_ =	shalt  }
0x79: {  	_ =	shalt  }
0x7a: {  	_ =	shalt  }
0x7b: {  	_ =	shalt  }
0x7c: {  	_ =	shalt  }
0x7d: {  	_ =	shalt  }
0x7e: {  	_ =	shalt  }
0x7f: {  	_ =	shalt  }
0x80: {  	_ =	shalt  }
0x81: {  	_ =	shalt  }
0x82: {  	_ =	shalt  }
0x83: {  	_ =	shalt  }
0x84: {  	_ =	shalt  }
0x85: {  	_ =	shalt  }
0x86: {  	_ =	shalt  }
0x87: {  	_ =	shalt  }
.Lfunc_end0:
.L_simem_size_0:
called_computation_lowered:
.L_overlay_start_0:
0x88: {  	s2 =	sld [smem:$0x3FD9]  }
0x89: {  	s3 =	sld [smem:$0x3FFE];
	_ =	sdelay $0x1  }
0x8a: {  	s1 =	srdreg.scid  }
0x8b: {  	s0 =	sand.u32 $0x1, s1  }
0x8c: {  	s17 =	sshll.u32 s0, $0xA;
	s2 =	sadd.s32 s3, s2  }
0x8d: {  	s2 =	sadd.s32 s2, s17  }
0x8e: {  	[smem:$0x3FC4] =	sst s2  }
0x8f: {  	_ = 	snop  }
0x90: {  	s2 =	sld [smem:$0x3FC8];
	(tm) =	ssettm $0x1  }
0x91: {  	s18 =	sld [smem:$0x3FFB];
	_ =	sdelay $0x3  }
0x92: {  	_ =	strace s18  }
0x93: {  	s3 =	sld [smem:$0x3FFC];
	_ =	sdelay $0x3  }
0x94: {  	_ =	strace s3  }
0x95: {  	s3 =	sld [smem:$0x3FFD];
	_ =	sdelay $0x3  }
0x96: {  	_ =	strace s3  }
0x97: {  	_ =	strace $0x8FFFFFFF  }
0x98: {  	s19 =	sld [smem:$0x3FDB];
	_ =	sdelay $0x1  }
0x99: {  	s4 =	simm.s32 $_scs_section_size  }
0x9a: {  	s5 =	simm.s32 $_size__tile_overlayer_lowered;
	s6 =	simm.s32 $_tile_overlayer_lowered  }
0x9b: {  	s22 =	simm.s32 $0x1BFF;
	s21 =	sshll.u32 s6, $0x1;
	s3 =	sadd.s32 s4, s19  }
0x9c: {  	s7 =	simm.s32 $0x0;
	s20 =	sshll.u32 s5, $0x1;
	s5 =	sadd.s32 s21, s3  }
0x9d: {  	[timem:s7], [sflag:s22] =	dma.local [hbm:s5], s20  }
0x9e: {  	_ =	swait.ge [sflag:s22], s20  }
0x9f: {  	s4 =	ssub.s32 $0x0, s20;
	[sflag:s22] =	ssyncset.done $0x0  }
0xa0: {  	[sflag:s22] =	ssyncadd.s32 s4;
	_ =	sdelay $0x1  }
0xa1: {  	s23 =	simm.s32 $0x1B8B  }
0xa2: {  	_ =	swait.ge [sflag:s23], $0x1  }
0xa3: {  	[sflag:s23] =	ssyncset.done $0x0  }
0xa4: {  	s25 =	simm.s32 $0x1B8E;
	s24 =	sld [smem:$0x3FFE];
	[sflag:s23] =	ssyncadd.s32 $0xFFFFFFFF  }
0xa5: {  	s26 =	simm.s32 $execute0_lowered;
	[smem:$0x3FD2] =	sst s25  }
0xa6: {  	s5 =	sshll.u32 s26, $0x1;
	_ =	strace $0x80000046;
	[dreg:$0x1] =	wrdreg $0xFFFFFFFF  }
0xa7: {  	s28 =	simm.s32 $_size_execute0_lowered;
	s3 =	sadd.s32 s3, s5;
	[dreg:$0x0] =	wrdreg $0x0  }
0xa8: {  	s5 =	sshll.u32 s28, $0x1;
	[dreg:$0x2] =	wrdreg s3  }
0xa9: {  	[dreg:$0x3] =	wrdreg s5  }
0xaa: {  	[dreg:$0x4] =	wrdreg $0xC0  }
0xab: {  	_ =	task [dreg:s7], $0x5FFFF  }
0xac: {  	[dreg:$0x1] =	wrdreg $0xFFFFFFFF  }
0xad: {  	[dreg:$0x0] =	wrdreg $0x60  }
0xae: {  	[dreg:$0x2] =	wrdreg s24  }
0xaf: {  	[dreg:$0x3] =	wrdreg s2  }
0xb0: {  	[dreg:$0x4] =	wrdreg $0x9  }
0xb1: {  	_ =	task.clear_ibuf [dreg:s7], $0x5FFFF;
	_ =	strace $0x90000046  }
0xb2: {  	s29 =	simm.s32 $0x9;
	_ =	strace $0x80000048  }
0xb3: {  	_ =	swait.ge [sflag:s29], $0x1  }
0xb4: {  	[sflag:s29] =	ssyncadd.s32 $0xFFFFFFFF  }
0xb5: {  	_ =	strace $0x90000048  }
0xb6: {  	_ =	sfence  }
0xb7: {  	s30 =	sld [smem:$0x0];
	_ =	sdelay $0x2  }
0xb8: {  	s31 =	sshll.u32 s1, $0xD;
	s1 =	sshrl.u32 s1, $0x2  }
0xb9: {  	s3 =	sand.u32 $0x4000, s31;
	s1 =	sadd.s32 s1, s30  }
0xba: {  	s0 =	sor.u32 s3, s0;
	s1 =	sshll.u32 s1, $0x11  }
0xbb: {  	s0 =	sor.u32 s1, s0  }
0xbc: {  	s0 =	sadd.s32 $0x8F2B, s0  }
0xbd: {  	[sflag:s0] =	ssyncadd.remote.s32 $0x1  }
0xbe: {  	_ =	sfence.sel $0xFFFF  }
0xbf: {  	[dreg:$0x0] =	wrdreg $0xFFFFFFFF;
	(pc) =	sbr.abs _section_cstart, $3  }
0xc0: {  	[dreg:$0x1] =	wrdreg $0xFFFFFFFF  }
0xc1: {  	_ =	task.clear_ibuf [dreg:s7], $0x2FFFF;
	_ =	strace $0x9FFFFFFF  }
0xc2: {  	(tm) =	ssettm $0x7FFFFFFF  }
0xc3: {  	_ =	shalt  }
tec
execute0_lowered:
.L_overlay_start_1:
0x0: {  	(tag) =	ssettag $0x1  }
0x1: {  	v0 =	vlaneseq.u32  }
0x2: {  	v0 =	vmul.u32 $0x80, v0;
	_ =	sdelay $0x1  }
0x3: {  	v1 =	vor.u32 $0x1, v0;
	v6 =	vor.u32 $0x6, v0;
	v7 =	vor.u32 $0x7, v0  }
0x4: {  	v8 =	vor.u32 $0x8, v0;
	v9 =	vor.u32 $0x9, v0;
	v10 =	vor.u32 $0x800, v0  }
0x5: {  	v11 =	vor.u32 $0x801, v0;
	v12 =	vor.u32 $0x802, v0;
	v13 =	vor.u32 $0x803, v0  }
0x6: {  	v14 =	vor.u32 $0x804, v0;
	v15 =	vor.u32 $0x805, v0;
	v16 =	vor.u32 $0x806, v0  }
0x7: {  	v17 =	vor.u32 $0x807, v0;
	v18 =	vor.u32 $0x808, v0;
	v19 =	vor.u32 $0x809, v0  }
0x8: {  	v20 =	vor.u32 $0x1000, v0;
	v21 =	vor.u32 $0x1001, v0;
	v22 =	vor.u32 $0x1002, v0  }
0x9: {  	v23 =	vor.u32 $0x1003, v0;
	v24 =	vor.u32 $0x1004, v0;
	v25 =	vor.u32 $0x1005, v0  }
0xa: {  	v26 =	vor.u32 $0x1006, v0;
	v27 =	vor.u32 $0x1007, v0;
	v28 =	vor.u32 $0x1008, v0  }
0xb: {  	s3 =	rddreg [dreg:$0x0];
	v29 =	vor.u32 $0x1009, v0;
	v30 =	vor.u32 $0x1800, v0;
	v31 =	vor.u32 $0x1801, v0  }
0xc: {  	s4 =	rddreg [dreg:$0x1];
	v32 =	vor.u32 $0x1802, v0;
	v33 =	vor.u32 $0x1803, v0;
	v34 =	vor.u32 $0x1804, v0  }
0xd: {  	s0 =	rddreg [dreg:$0x2];
	v35 =	vor.u32 $0x1805, v0;
	v36 =	vor.u32 $0x1806, v0;
	v37 =	vor.u32 $0x1807, v0  }
0xe: {  	s1 =	simm.s32 $0x0;
	s5 =	srdreg.scid;
	s2 =	stileid.u32;
	v38 =	vor.u32 $0x1808, v0;
	v39 =	vor.u32 $0x1809, v0;
	v40 =	vor.u32 $0x2000, v0  }
0xf: {  	s12 =	simm.s32 $0x8100;
	s13 =	simm.s32 $0x2;
	s14 =	simm.s32 $0xC100;
	v41 =	vor.u32 $0x2001, v0;
	v42 =	vor.u32 $0x2002, v0;
	v43 =	vor.u32 $0x2003, v0  }
0x10: {  	s15 =	simm.s32 $0x3;
	[smem:$0x7FF] =	sst s1;
	s5 =	sand.u32 $0x1, s5;
	v44 =	vor.u32 $0x2004, v0;
	v45 =	vor.u32 $0x2005, v0;
	v46 =	vor.u32 $0x2006, v0  }
0x11: {  	s6 =	sadd.s32 $0x600, s3;
	s7 =	sshll.u32 s2, $0x9;
	s8 =	sshll.u32 s5, $0x8;
	v47 =	vor.u32 $0x2007, v0;
	v48 =	vor.u32 $0x2008, v0;
	v49 =	vor.u32 $0x2009, v0  }
0x12: {  	s9 =	sadd.s32 $0x20600, s3;
	s28 =	ssub.s32 $0x2, s5;
	s29 =	sor.u32 s8, s7;
	v50 =	vor.u32 $0x2800, v0;
	v51 =	vor.u32 $0x2801, v0;
	[tilespmem:$0x1FFB0] =	vst v1;
	v1 =	vor.u32 $0x2, v0  }
0x13: {  	s30 =	sshrl.u32 s28, $0x1;
	v52 =	vor.u32 $0x2802, v0;
	v53 =	vor.u32 $0x2803, v0;
	s8 =	sshrl.u32 s29, $0x3;
	s10 =	sshll.u32 s29, $0x4;
	[tilespmem:$0x1FFC0] =	vst v1;
	v1 =	vor.u32 $0x3, v0  }
0x14: {  	v54 =	vor.u32 $0x2804, v0;
	v55 =	vor.u32 $0x2805, v0;
	s11 =	ssub.s32 s28, s30;
	s3 =	sadd.s32 s4, s8;
	s31 =	sor.u32 $0x800, s10;
	[tilespmem:$0x1FFD0] =	vst v1;
	v1 =	vor.u32 $0x4, v0  }
0x15: {  	v56 =	vor.u32 $0x2806, v0;
	v57 =	vor.u32 $0x2807, v0;
	s4 =	sadd.s32 s6, s10;
	s8 =	smax.u32 s11, $0x1;
	s11 =	simm.s32 $0x1;
	[tilespmem:$0x1FFE0] =	vst v1;
	v1 =	vor.u32 $0x5, v0  }
0x16: {  	v58 =	vor.u32 $0x2808, v0;
	v59 =	vor.u32 $0x2809, v0;
	v60 =	vor.u32 $0x3000, v0;
	s5 =	sadd.s32 s6, s31;
	s6 =	sadd.s32 s9, s10;
	s7 =	sadd.s32 s9, s31;
	[tilespmem:$0x1FFF0] =	vst v1  }
0x17: {  	v61 =	vor.u32 $0x3001, v0;
	v62 =	vor.u32 $0x3002, v0;
	v63 =	vor.u32 $0x3003, v0;
	s9 =	simm.s32 $0x100;
	s10 =	simm.s32 $0x4100;
	_ =	strace $0x80000047  }
.LBB2_1:
0x18: {  	[tilespmem:s1], [sflag:$0x1] =	stream.linear.gather [hbm4b:s3+s1], $0x100, $0x38;
	[tilespmem:$0x10100] =	vst v63  }
0x19: {  	_ = 	snop  }
0x1a: {  	[tilespmem:s9], [sflag:$0x1] =	stream.linear.gather [hbm4b:s4+s1], $0x4000, $0x38;
	[tilespmem:$0x10100] =	vst v63  }
0x1b: {  	_ = 	snop  }
0x1c: {  	[tilespmem:s10], [sflag:$0x2] =	stream.linear.gather [hbm4b:s5+s1], $0x4000, $0x38;
	[tilespmem:$0x10100] =	vst v63  }
0x1d: {  	_ =	swait.ge [sflag:s11], $0x100  }
0x1e: {  	[sflag:s11] =	ssyncset.done $0x0  }
0x1f: {  	[sflag:s11] =	ssyncadd.s32 $0xFFFFFF00  }
0x20: {  	_ =	swait.ge [sflag:s11], $0x4000  }
0x21: {  	[sflag:s11] =	ssyncset.done $0x0  }
0x22: {  	[sflag:s11] =	ssyncadd.s32 $0xFFFFC000  }
0x23: {  	v1 =	vld [tilespmem:$0x0];
	_ =	sdelay $0x4  }
0x24: {  	v1 =	vmul.u32 $0xA, v1;
	_ =	sdelay $0x1  }
0x25: {  	v2 =	vadd.s32 v0, v1;
	_ =	sdelay $0x4  }
0x26: {  	v3 =	vld.idx.msk [tilespmem:v2+s9+$0x0], $0xffff  }
0x27: {  	v2 =	vor.u32 $0x1, v2;
	_ =	sdelay $0x1  }
0x28: {  	v4 =	vld [tilespmem:$0x1FFB0];
	_ =	sdelay $0x1  }
0x29: {  	v5 =	vld [tilespmem:$0x1FFC0];
	[tilespmem:v0+s12+$0x0] =	vst.idx.msk $0xffff, v3  }
0x2a: {  	v2 =	vld.idx.msk [tilespmem:v2+s9+$0x0], $0xffff;
	_ =	sdelay $0x3  }
0x2b: {  	v3 =	vadd.s32 v5, v1  }
0x2c: {  	[tilespmem:v4+s12+$0x0] =	vst.idx.msk $0xffff, v2;
	v4 =	vld [tilespmem:$0x1FFD0];
	_ =	sdelay $0x3  }
0x2d: {  	v2 =	vld.idx.msk [tilespmem:v3+s9+$0x0], $0xffff  }
0x2e: {  	v3 =	vadd.s32 v4, v1;
	_ =	sdelay $0x3  }
0x2f: {  	[tilespmem:v5+s12+$0x0] =	vst.idx.msk $0xffff, v2;
	v5 =	vld [tilespmem:$0x1FFE0]  }
0x30: {  	v2 =	vld.idx.msk [tilespmem:v3+s9+$0x0], $0xffff;
	_ =	sdelay $0x3  }
0x31: {  	v3 =	vadd.s32 v5, v1  }
0x32: {  	[tilespmem:v4+s12+$0x0] =	vst.idx.msk $0xffff, v2;
	v4 =	vld [tilespmem:$0x1FFF0];
	_ =	sdelay $0x3  }
0x33: {  	v2 =	vld.idx.msk [tilespmem:v3+s9+$0x0], $0xffff  }
0x34: {  	v3 =	vadd.s32 v4, v1;
	_ =	sdelay $0x3  }
0x35: {  	[tilespmem:v5+s12+$0x0] =	vst.idx.msk $0xffff, v2  }
0x36: {  	v2 =	vld.idx.msk [tilespmem:v3+s9+$0x0], $0xffff  }
0x37: {  	v3 =	vadd.s32 v6, v1;
	_ =	sdelay $0x3  }
0x38: {  	[tilespmem:v4+s12+$0x0] =	vst.idx.msk $0xffff, v2  }
0x39: {  	v2 =	vld.idx.msk [tilespmem:v3+s9+$0x0], $0xffff  }
0x3a: {  	v3 =	vadd.s32 v7, v1;
	_ =	sdelay $0x3  }
0x3b: {  	[tilespmem:v6+s12+$0x0] =	vst.idx.msk $0xffff, v2  }
0x3c: {  	v2 =	vld.idx.msk [tilespmem:v3+s9+$0x0], $0xffff  }
0x3d: {  	v3 =	vadd.s32 v8, v1;
	_ =	sdelay $0x3  }
0x3e: {  	[tilespmem:v7+s12+$0x0] =	vst.idx.msk $0xffff, v2  }
0x3f: {  	v2 =	vld.idx.msk [tilespmem:v3+s9+$0x0], $0xffff  }
0x40: {  	v1 =	vadd.s32 v9, v1;
	_ =	sdelay $0x3  }
0x41: {  	[tilespmem:v8+s12+$0x0] =	vst.idx.msk $0xffff, v2  }
0x42: {  	v1 =	vld.idx.msk [tilespmem:v1+s9+$0x0], $0xffff;
	_ =	sdelay $0x4  }
0x43: {  	[tilespmem:v9+s12+$0x0] =	vst.idx.msk $0xffff, v1  }
0x44: {  	v1 =	vld [tilespmem:$0x10];
	_ =	sdelay $0x4  }
0x45: {  	v1 =	vmul.u32 $0xA, v1;
	_ =	sdelay $0x1  }
0x46: {  	v2 =	vadd.s32 v10, v1;
	_ =	sdelay $0x4  }
0x47: {  	v2 =	vld.idx.msk [tilespmem:v2+s9+$0x0], $0xffff  }
0x48: {  	v3 =	vadd.s32 v11, v1;
	_ =	sdelay $0x3  }
0x49: {  	[tilespmem:v10+s12+$0x0] =	vst.idx.msk $0xffff, v2  }
0x4a: {  	v2 =	vld.idx.msk [tilespmem:v3+s9+$0x0], $0xffff  }
0x4b: {  	v3 =	vadd.s32 v12, v1;
	_ =	sdelay $0x3  }
0x4c: {  	[tilespmem:v11+s12+$0x0] =	vst.idx.msk $0xffff, v2  }
0x4d: {  	v2 =	vld.idx.msk [tilespmem:v3+s9+$0x0], $0xffff  }
0x4e: {  	v3 =	vadd.s32 v13, v1;
	_ =	sdelay $0x3  }
0x4f: {  	[tilespmem:v12+s12+$0x0] =	vst.idx.msk $0xffff, v2  }
0x50: {  	v2 =	vld.idx.msk [tilespmem:v3+s9+$0x0], $0xffff  }
0x51: {  	v3 =	vadd.s32 v14, v1;
	_ =	sdelay $0x3  }
0x52: {  	[tilespmem:v13+s12+$0x0] =	vst.idx.msk $0xffff, v2  }
0x53: {  	v2 =	vld.idx.msk [tilespmem:v3+s9+$0x0], $0xffff  }
0x54: {  	v3 =	vadd.s32 v15, v1;
	_ =	sdelay $0x3  }
0x55: {  	[tilespmem:v14+s12+$0x0] =	vst.idx.msk $0xffff, v2  }
0x56: {  	v2 =	vld.idx.msk [tilespmem:v3+s9+$0x0], $0xffff  }
0x57: {  	v3 =	vadd.s32 v16, v1;
	_ =	sdelay $0x3  }
0x58: {  	[tilespmem:v15+s12+$0x0] =	vst.idx.msk $0xffff, v2  }
0x59: {  	v2 =	vld.idx.msk [tilespmem:v3+s9+$0x0], $0xffff  }
0x5a: {  	v3 =	vadd.s32 v17, v1;
	_ =	sdelay $0x3  }
0x5b: {  	[tilespmem:v16+s12+$0x0] =	vst.idx.msk $0xffff, v2  }
0x5c: {  	v2 =	vld.idx.msk [tilespmem:v3+s9+$0x0], $0xffff  }
0x5d: {  	v3 =	vadd.s32 v18, v1;
	_ =	sdelay $0x3  }
0x5e: {  	[tilespmem:v17+s12+$0x0] =	vst.idx.msk $0xffff, v2  }
0x5f: {  	v2 =	vld.idx.msk [tilespmem:v3+s9+$0x0], $0xffff  }
0x60: {  	v1 =	vadd.s32 v19, v1;
	_ =	sdelay $0x3  }
0x61: {  	[tilespmem:v18+s12+$0x0] =	vst.idx.msk $0xffff, v2  }
0x62: {  	v1 =	vld.idx.msk [tilespmem:v1+s9+$0x0], $0xffff;
	_ =	sdelay $0x4  }
0x63: {  	[tilespmem:v19+s12+$0x0] =	vst.idx.msk $0xffff, v1  }
0x64: {  	v1 =	vld [tilespmem:$0x20];
	_ =	sdelay $0x4  }
0x65: {  	v1 =	vmul.u32 $0xA, v1;
	_ =	sdelay $0x1  }
0x66: {  	v2 =	vadd.s32 v20, v1;
	_ =	sdelay $0x4  }
0x67: {  	v2 =	vld.idx.msk [tilespmem:v2+s9+$0x0], $0xffff  }
0x68: {  	v3 =	vadd.s32 v21, v1;
	_ =	sdelay $0x3  }
0x69: {  	[tilespmem:v20+s12+$0x0] =	vst.idx.msk $0xffff, v2  }
0x6a: {  	v2 =	vld.idx.msk [tilespmem:v3+s9+$0x0], $0xffff  }
0x6b: {  	v3 =	vadd.s32 v22, v1;
	_ =	sdelay $0x3  }
0x6c: {  	[tilespmem:v21+s12+$0x0] =	vst.idx.msk $0xffff, v2  }
0x6d: {  	v2 =	vld.idx.msk [tilespmem:v3+s9+$0x0], $0xffff  }
0x6e: {  	v3 =	vadd.s32 v23, v1;
	_ =	sdelay $0x3  }
0x6f: {  	[tilespmem:v22+s12+$0x0] =	vst.idx.msk $0xffff, v2  }
0x70: {  	v2 =	vld.idx.msk [tilespmem:v3+s9+$0x0], $0xffff  }
0x71: {  	v3 =	vadd.s32 v24, v1;
	_ =	sdelay $0x3  }
0x72: {  	[tilespmem:v23+s12+$0x0] =	vst.idx.msk $0xffff, v2  }
0x73: {  	v2 =	vld.idx.msk [tilespmem:v3+s9+$0x0], $0xffff  }
0x74: {  	v3 =	vadd.s32 v25, v1;
	_ =	sdelay $0x3  }
0x75: {  	[tilespmem:v24+s12+$0x0] =	vst.idx.msk $0xffff, v2  }
0x76: {  	v2 =	vld.idx.msk [tilespmem:v3+s9+$0x0], $0xffff  }
0x77: {  	v3 =	vadd.s32 v26, v1;
	_ =	sdelay $0x3  }
0x78: {  	[tilespmem:v25+s12+$0x0] =	vst.idx.msk $0xffff, v2  }
0x79: {  	v2 =	vld.idx.msk [tilespmem:v3+s9+$0x0], $0xffff  }
0x7a: {  	v3 =	vadd.s32 v27, v1;
	_ =	sdelay $0x3  }
0x7b: {  	[tilespmem:v26+s12+$0x0] =	vst.idx.msk $0xffff, v2  }
0x7c: {  	v2 =	vld.idx.msk [tilespmem:v3+s9+$0x0], $0xffff  }
0x7d: {  	v3 =	vadd.s32 v28, v1;
	_ =	sdelay $0x3  }
0x7e: {  	[tilespmem:v27+s12+$0x0] =	vst.idx.msk $0xffff, v2  }
0x7f: {  	v2 =	vld.idx.msk [tilespmem:v3+s9+$0x0], $0xffff  }
0x80: {  	v1 =	vadd.s32 v29, v1;
	_ =	sdelay $0x3  }
0x81: {  	[tilespmem:v28+s12+$0x0] =	vst.idx.msk $0xffff, v2  }
0x82: {  	v1 =	vld.idx.msk [tilespmem:v1+s9+$0x0], $0xffff;
	_ =	sdelay $0x4  }
0x83: {  	[tilespmem:v29+s12+$0x0] =	vst.idx.msk $0xffff, v1  }
0x84: {  	v1 =	vld [tilespmem:$0x30];
	_ =	sdelay $0x4  }
0x85: {  	v1 =	vmul.u32 $0xA, v1;
	_ =	sdelay $0x1  }
0x86: {  	v2 =	vadd.s32 v30, v1;
	_ =	sdelay $0x4  }
0x87: {  	v2 =	vld.idx.msk [tilespmem:v2+s9+$0x0], $0xffff  }
0x88: {  	v3 =	vadd.s32 v31, v1;
	_ =	sdelay $0x3  }
0x89: {  	[tilespmem:v30+s12+$0x0] =	vst.idx.msk $0xffff, v2  }
0x8a: {  	v2 =	vld.idx.msk [tilespmem:v3+s9+$0x0], $0xffff  }
0x8b: {  	v3 =	vadd.s32 v32, v1;
	_ =	sdelay $0x3  }
0x8c: {  	[tilespmem:v31+s12+$0x0] =	vst.idx.msk $0xffff, v2  }
0x8d: {  	v2 =	vld.idx.msk [tilespmem:v3+s9+$0x0], $0xffff  }
0x8e: {  	v3 =	vadd.s32 v33, v1;
	_ =	sdelay $0x3  }
0x8f: {  	[tilespmem:v32+s12+$0x0] =	vst.idx.msk $0xffff, v2  }
0x90: {  	v2 =	vld.idx.msk [tilespmem:v3+s9+$0x0], $0xffff  }
0x91: {  	v3 =	vadd.s32 v34, v1;
	_ =	sdelay $0x3  }
0x92: {  	[tilespmem:v33+s12+$0x0] =	vst.idx.msk $0xffff, v2  }
0x93: {  	v2 =	vld.idx.msk [tilespmem:v3+s9+$0x0], $0xffff  }
0x94: {  	v3 =	vadd.s32 v35, v1;
	_ =	sdelay $0x3  }
0x95: {  	[tilespmem:v34+s12+$0x0] =	vst.idx.msk $0xffff, v2  }
0x96: {  	v2 =	vld.idx.msk [tilespmem:v3+s9+$0x0], $0xffff  }
0x97: {  	v3 =	vadd.s32 v36, v1;
	_ =	sdelay $0x3  }
0x98: {  	[tilespmem:v35+s12+$0x0] =	vst.idx.msk $0xffff, v2  }
0x99: {  	v2 =	vld.idx.msk [tilespmem:v3+s9+$0x0], $0xffff  }
0x9a: {  	v3 =	vadd.s32 v37, v1;
	_ =	sdelay $0x3  }
0x9b: {  	[tilespmem:v36+s12+$0x0] =	vst.idx.msk $0xffff, v2  }
0x9c: {  	v2 =	vld.idx.msk [tilespmem:v3+s9+$0x0], $0xffff  }
0x9d: {  	v3 =	vadd.s32 v38, v1;
	_ =	sdelay $0x3  }
0x9e: {  	[tilespmem:v37+s12+$0x0] =	vst.idx.msk $0xffff, v2  }
0x9f: {  	v2 =	vld.idx.msk [tilespmem:v3+s9+$0x0], $0xffff  }
0xa0: {  	v1 =	vadd.s32 v39, v1;
	_ =	sdelay $0x3  }
0xa1: {  	[tilespmem:v38+s12+$0x0] =	vst.idx.msk $0xffff, v2  }
0xa2: {  	v1 =	vld.idx.msk [tilespmem:v1+s9+$0x0], $0xffff;
	_ =	sdelay $0x4  }
0xa3: {  	[tilespmem:v39+s12+$0x0] =	vst.idx.msk $0xffff, v1  }
0xa4: {  	v1 =	vld [tilespmem:$0x40];
	_ =	sdelay $0x4  }
0xa5: {  	v1 =	vmul.u32 $0xA, v1;
	_ =	sdelay $0x1  }
0xa6: {  	v2 =	vadd.s32 v40, v1;
	_ =	sdelay $0x4  }
0xa7: {  	v2 =	vld.idx.msk [tilespmem:v2+s9+$0x0], $0xffff  }
0xa8: {  	v3 =	vadd.s32 v41, v1;
	_ =	sdelay $0x3  }
0xa9: {  	[tilespmem:v40+s12+$0x0] =	vst.idx.msk $0xffff, v2  }
0xaa: {  	v2 =	vld.idx.msk [tilespmem:v3+s9+$0x0], $0xffff  }
0xab: {  	v3 =	vadd.s32 v42, v1;
	_ =	sdelay $0x3  }
0xac: {  	[tilespmem:v41+s12+$0x0] =	vst.idx.msk $0xffff, v2  }
0xad: {  	v2 =	vld.idx.msk [tilespmem:v3+s9+$0x0], $0xffff  }
0xae: {  	v3 =	vadd.s32 v43, v1;
	_ =	sdelay $0x3  }
0xaf: {  	[tilespmem:v42+s12+$0x0] =	vst.idx.msk $0xffff, v2  }
0xb0: {  	v2 =	vld.idx.msk [tilespmem:v3+s9+$0x0], $0xffff  }
0xb1: {  	v3 =	vadd.s32 v44, v1;
	_ =	sdelay $0x3  }
0xb2: {  	[tilespmem:v43+s12+$0x0] =	vst.idx.msk $0xffff, v2  }
0xb3: {  	v2 =	vld.idx.msk [tilespmem:v3+s9+$0x0], $0xffff  }
0xb4: {  	v3 =	vadd.s32 v45, v1;
	_ =	sdelay $0x3  }
0xb5: {  	[tilespmem:v44+s12+$0x0] =	vst.idx.msk $0xffff, v2  }
0xb6: {  	v2 =	vld.idx.msk [tilespmem:v3+s9+$0x0], $0xffff  }
0xb7: {  	v3 =	vadd.s32 v46, v1;
	_ =	sdelay $0x3  }
0xb8: {  	[tilespmem:v45+s12+$0x0] =	vst.idx.msk $0xffff, v2  }
0xb9: {  	v2 =	vld.idx.msk [tilespmem:v3+s9+$0x0], $0xffff  }
0xba: {  	v3 =	vadd.s32 v47, v1;
	_ =	sdelay $0x3  }
0xbb: {  	[tilespmem:v46+s12+$0x0] =	vst.idx.msk $0xffff, v2  }
0xbc: {  	v2 =	vld.idx.msk [tilespmem:v3+s9+$0x0], $0xffff  }
0xbd: {  	v3 =	vadd.s32 v48, v1;
	_ =	sdelay $0x3  }
0xbe: {  	[tilespmem:v47+s12+$0x0] =	vst.idx.msk $0xffff, v2  }
0xbf: {  	v2 =	vld.idx.msk [tilespmem:v3+s9+$0x0], $0xffff  }
0xc0: {  	v1 =	vadd.s32 v49, v1;
	_ =	sdelay $0x3  }
0xc1: {  	[tilespmem:v48+s12+$0x0] =	vst.idx.msk $0xffff, v2  }
0xc2: {  	v1 =	vld.idx.msk [tilespmem:v1+s9+$0x0], $0xffff;
	_ =	sdelay $0x4  }
0xc3: {  	[tilespmem:v49+s12+$0x0] =	vst.idx.msk $0xffff, v1  }
0xc4: {  	v1 =	vld [tilespmem:$0x50];
	_ =	sdelay $0x4  }
0xc5: {  	v1 =	vmul.u32 $0xA, v1;
	_ =	sdelay $0x1  }
0xc6: {  	v2 =	vadd.s32 v50, v1;
	_ =	sdelay $0x4  }
0xc7: {  	v2 =	vld.idx.msk [tilespmem:v2+s9+$0x0], $0xffff  }
0xc8: {  	v3 =	vadd.s32 v51, v1;
	_ =	sdelay $0x3  }
0xc9: {  	[tilespmem:v50+s12+$0x0] =	vst.idx.msk $0xffff, v2  }
0xca: {  	v2 =	vld.idx.msk [tilespmem:v3+s9+$0x0], $0xffff  }
0xcb: {  	v3 =	vadd.s32 v52, v1;
	_ =	sdelay $0x3  }
0xcc: {  	[tilespmem:v51+s12+$0x0] =	vst.idx.msk $0xffff, v2  }
0xcd: {  	v2 =	vld.idx.msk [tilespmem:v3+s9+$0x0], $0xffff  }
0xce: {  	v3 =	vadd.s32 v53, v1;
	_ =	sdelay $0x3  }
0xcf: {  	[tilespmem:v52+s12+$0x0] =	vst.idx.msk $0xffff, v2  }
0xd0: {  	v2 =	vld.idx.msk [tilespmem:v3+s9+$0x0], $0xffff  }
0xd1: {  	v3 =	vadd.s32 v54, v1;
	_ =	sdelay $0x3  }
0xd2: {  	[tilespmem:v53+s12+$0x0] =	vst.idx.msk $0xffff, v2  }
0xd3: {  	v2 =	vld.idx.msk [tilespmem:v3+s9+$0x0], $0xffff  }
0xd4: {  	v3 =	vadd.s32 v55, v1;
	_ =	sdelay $0x3  }
0xd5: {  	[tilespmem:v54+s12+$0x0] =	vst.idx.msk $0xffff, v2  }
0xd6: {  	v2 =	vld.idx.msk [tilespmem:v3+s9+$0x0], $0xffff  }
0xd7: {  	v3 =	vadd.s32 v56, v1;
	_ =	sdelay $0x3  }
0xd8: {  	[tilespmem:v55+s12+$0x0] =	vst.idx.msk $0xffff, v2  }
0xd9: {  	v2 =	vld.idx.msk [tilespmem:v3+s9+$0x0], $0xffff  }
0xda: {  	v3 =	vadd.s32 v57, v1;
	_ =	sdelay $0x3  }
0xdb: {  	[tilespmem:v56+s12+$0x0] =	vst.idx.msk $0xffff, v2  }
0xdc: {  	v2 =	vld.idx.msk [tilespmem:v3+s9+$0x0], $0xffff  }
0xdd: {  	v3 =	vadd.s32 v58, v1;
	_ =	sdelay $0x3  }
0xde: {  	[tilespmem:v57+s12+$0x0] =	vst.idx.msk $0xffff, v2  }
0xdf: {  	v2 =	vld.idx.msk [tilespmem:v3+s9+$0x0], $0xffff  }
0xe0: {  	v1 =	vadd.s32 v59, v1;
	_ =	sdelay $0x3  }
0xe1: {  	[tilespmem:v58+s12+$0x0] =	vst.idx.msk $0xffff, v2  }
0xe2: {  	v1 =	vld.idx.msk [tilespmem:v1+s9+$0x0], $0xffff;
	_ =	sdelay $0x4  }
0xe3: {  	[tilespmem:v59+s12+$0x0] =	vst.idx.msk $0xffff, v1  }
0xe4: {  	v1 =	vld [tilespmem:$0x60];
	_ =	sdelay $0x4  }
0xe5: {  	v1 =	vmul.u32 $0xA, v1;
	_ =	sdelay $0x1  }
0xe6: {  	v2 =	vadd.s32 v60, v1;
	_ =	sdelay $0x4  }
0xe7: {  	v2 =	vld.idx.msk [tilespmem:v2+s9+$0x0], $0xffff  }
0xe8: {  	v3 =	vadd.s32 v61, v1;
	_ =	sdelay $0x3  }
0xe9: {  	[tilespmem:v60+s12+$0x0] =	vst.idx.msk $0xffff, v2  }
0xea: {  	v2 =	vld.idx.msk [tilespmem:v3+s9+$0x0], $0xffff  }
0xeb: {  	v3 =	vadd.s32 v62, v1;
	_ =	sdelay $0x3  }
0xec: {  	[tilespmem:v61+s12+$0x0] =	vst.idx.msk $0xffff, v2  }
0xed: {  	v2 =	vld.idx.msk [tilespmem:v3+s9+$0x0], $0xffff  }
0xee: {  	v3 =	vadd.s32 v63, v1;
	_ =	sdelay $0x3  }
0xef: {  	[tilespmem:v62+s12+$0x0] =	vst.idx.msk $0xffff, v2  }
0xf0: {  	v2 =	vld.idx.msk [tilespmem:v3+s9+$0x0], $0xffff;
	v3 =	vor.u32 $0x3004, v0  }
0xf1: {  	v4 =	vadd.s32 v3, v1;
	_ =	sdelay $0x3  }
0xf2: {  	[tilespmem:v63+s12+$0x0] =	vst.idx.msk $0xffff, v2  }
0xf3: {  	v2 =	vld.idx.msk [tilespmem:v4+s9+$0x0], $0xffff;
	v4 =	vor.u32 $0x3005, v0  }
0xf4: {  	v5 =	vadd.s32 v4, v1;
	_ =	sdelay $0x3  }
0xf5: {  	[tilespmem:v3+s12+$0x0] =	vst.idx.msk $0xffff, v2  }
0xf6: {  	v3 =	vor.u32 $0x3006, v0;
	v2 =	vld.idx.msk [tilespmem:v5+s9+$0x0], $0xffff  }
0xf7: {  	v5 =	vadd.s32 v3, v1;
	_ =	sdelay $0x3  }
0xf8: {  	[tilespmem:v4+s12+$0x0] =	vst.idx.msk $0xffff, v2  }
0xf9: {  	v4 =	vor.u32 $0x3007, v0;
	v2 =	vld.idx.msk [tilespmem:v5+s9+$0x0], $0xffff  }
0xfa: {  	v5 =	vadd.s32 v4, v1;
	_ =	sdelay $0x3  }
0xfb: {  	[tilespmem:v3+s12+$0x0] =	vst.idx.msk $0xffff, v2  }
0xfc: {  	v3 =	vor.u32 $0x3008, v0;
	v2 =	vld.idx.msk [tilespmem:v5+s9+$0x0], $0xffff  }
0xfd: {  	v5 =	vadd.s32 v3, v1;
	_ =	sdelay $0x3  }
0xfe: {  	[tilespmem:v4+s12+$0x0] =	vst.idx.msk $0xffff, v2  }
0xff: {  	v4 =	vor.u32 $0x3009, v0;
	v2 =	vld.idx.msk [tilespmem:v5+s9+$0x0], $0xffff  }
0x100: {  	v1 =	vadd.s32 v4, v1;
	_ =	sdelay $0x3  }
0x101: {  	[tilespmem:v3+s12+$0x0] =	vst.idx.msk $0xffff, v2  }
0x102: {  	v1 =	vld.idx.msk [tilespmem:v1+s9+$0x0], $0xffff;
	_ =	sdelay $0x4  }
0x103: {  	[tilespmem:v4+s12+$0x0] =	vst.idx.msk $0xffff, v1  }
0x104: {  	v1 =	vld [tilespmem:$0x70];
	_ =	sdelay $0x4  }
0x105: {  	v1 =	vmul.u32 $0xA, v1  }
0x106: {  	v2 =	vor.u32 $0x3800, v0  }
0x107: {  	v3 =	vadd.s32 v2, v1;
	_ =	sdelay $0x4  }
0x108: {  	v4 =	vor.u32 $0x3801, v0;
	v3 =	vld.idx.msk [tilespmem:v3+s9+$0x0], $0xffff  }
0x109: {  	v5 =	vadd.s32 v4, v1;
	_ =	sdelay $0x3  }
0x10a: {  	[tilespmem:v2+s12+$0x0] =	vst.idx.msk $0xffff, v3  }
0x10b: {  	v3 =	vor.u32 $0x3802, v0;
	v2 =	vld.idx.msk [tilespmem:v5+s9+$0x0], $0xffff  }
0x10c: {  	v5 =	vadd.s32 v3, v1;
	_ =	sdelay $0x3  }
0x10d: {  	[tilespmem:v4+s12+$0x0] =	vst.idx.msk $0xffff, v2  }
0x10e: {  	v4 =	vor.u32 $0x3803, v0;
	v2 =	vld.idx.msk [tilespmem:v5+s9+$0x0], $0xffff  }
0x10f: {  	v5 =	vadd.s32 v4, v1;
	_ =	sdelay $0x3  }
0x110: {  	[tilespmem:v3+s12+$0x0] =	vst.idx.msk $0xffff, v2  }
0x111: {  	v3 =	vor.u32 $0x3804, v0;
	v2 =	vld.idx.msk [tilespmem:v5+s9+$0x0], $0xffff  }
0x112: {  	v5 =	vadd.s32 v3, v1;
	_ =	sdelay $0x3  }
0x113: {  	[tilespmem:v4+s12+$0x0] =	vst.idx.msk $0xffff, v2  }
0x114: {  	v4 =	vor.u32 $0x3805, v0;
	v2 =	vld.idx.msk [tilespmem:v5+s9+$0x0], $0xffff  }
0x115: {  	v5 =	vadd.s32 v4, v1;
	_ =	sdelay $0x3  }
0x116: {  	[tilespmem:v3+s12+$0x0] =	vst.idx.msk $0xffff, v2  }
0x117: {  	v3 =	vor.u32 $0x3806, v0;
	v2 =	vld.idx.msk [tilespmem:v5+s9+$0x0], $0xffff  }
0x118: {  	v5 =	vadd.s32 v3, v1;
	_ =	sdelay $0x3  }
0x119: {  	[tilespmem:v4+s12+$0x0] =	vst.idx.msk $0xffff, v2  }
0x11a: {  	v4 =	vor.u32 $0x3807, v0;
	v2 =	vld.idx.msk [tilespmem:v5+s9+$0x0], $0xffff  }
0x11b: {  	v5 =	vadd.s32 v4, v1;
	_ =	sdelay $0x3  }
0x11c: {  	[tilespmem:v3+s12+$0x0] =	vst.idx.msk $0xffff, v2  }
0x11d: {  	v3 =	vor.u32 $0x3808, v0;
	v2 =	vld.idx.msk [tilespmem:v5+s9+$0x0], $0xffff  }
0x11e: {  	v5 =	vadd.s32 v3, v1;
	_ =	sdelay $0x3  }
0x11f: {  	[tilespmem:v4+s12+$0x0] =	vst.idx.msk $0xffff, v2  }
0x120: {  	v4 =	vor.u32 $0x3809, v0;
	v2 =	vld.idx.msk [tilespmem:v5+s9+$0x0], $0xffff  }
0x121: {  	v1 =	vadd.s32 v4, v1;
	_ =	sdelay $0x3  }
0x122: {  	[tilespmem:v3+s12+$0x0] =	vst.idx.msk $0xffff, v2  }
0x123: {  	v1 =	vld.idx.msk [tilespmem:v1+s9+$0x0], $0xffff;
	_ =	sdelay $0x4  }
0x124: {  	[tilespmem:v4+s12+$0x0] =	vst.idx.msk $0xffff, v1  }
0x125: {  	[hbm4b:s6+s1] =	stream.linear.scatter [tilespmem:s12], [sflag:$0x1], $0x4000, $0x38;
	[tilespmem:$0x10100] =	vst v63  }
0x126: {  	_ =	swait.ge [sflag:s13], $0x4000  }
0x127: {  	[sflag:s13] =	ssyncset.done $0x0  }
0x128: {  	[sflag:s13] =	ssyncadd.s32 $0xFFFFC000  }
0x129: {  	v1 =	vld [tilespmem:$0x80];
	_ =	sdelay $0x4  }
0x12a: {  	v1 =	vmul.u32 $0xA, v1  }
0x12b: {  	v2 =	vor.u32 $0x4000, v0  }
0x12c: {  	v3 =	vadd.s32 v2, v1;
	_ =	sdelay $0x4  }
0x12d: {  	v4 =	vor.u32 $0x4001, v0;
	v3 =	vld.idx.msk [tilespmem:v3+s9+$0x0], $0xffff  }
0x12e: {  	v5 =	vadd.s32 v4, v1;
	_ =	sdelay $0x3  }
0x12f: {  	[tilespmem:v2+s12+$0x0] =	vst.idx.msk $0xffff, v3  }
0x130: {  	v3 =	vor.u32 $0x4002, v0;
	v2 =	vld.idx.msk [tilespmem:v5+s9+$0x0], $0xffff  }
0x131: {  	v5 =	vadd.s32 v3, v1;
	_ =	sdelay $0x3  }
0x132: {  	[tilespmem:v4+s12+$0x0] =	vst.idx.msk $0xffff, v2  }
0x133: {  	v4 =	vor.u32 $0x4003, v0;
	v2 =	vld.idx.msk [tilespmem:v5+s9+$0x0], $0xffff  }
0x134: {  	v5 =	vadd.s32 v4, v1;
	_ =	sdelay $0x3  }
0x135: {  	[tilespmem:v3+s12+$0x0] =	vst.idx.msk $0xffff, v2  }
0x136: {  	v3 =	vor.u32 $0x4004, v0;
	v2 =	vld.idx.msk [tilespmem:v5+s9+$0x0], $0xffff  }
0x137: {  	v5 =	vadd.s32 v3, v1;
	_ =	sdelay $0x3  }
0x138: {  	[tilespmem:v4+s12+$0x0] =	vst.idx.msk $0xffff, v2  }
0x139: {  	v4 =	vor.u32 $0x4005, v0;
	v2 =	vld.idx.msk [tilespmem:v5+s9+$0x0], $0xffff  }
0x13a: {  	v5 =	vadd.s32 v4, v1;
	_ =	sdelay $0x3  }
0x13b: {  	[tilespmem:v3+s12+$0x0] =	vst.idx.msk $0xffff, v2  }
0x13c: {  	v3 =	vor.u32 $0x4006, v0;
	v2 =	vld.idx.msk [tilespmem:v5+s9+$0x0], $0xffff  }
0x13d: {  	v5 =	vadd.s32 v3, v1;
	_ =	sdelay $0x3  }
0x13e: {  	[tilespmem:v4+s12+$0x0] =	vst.idx.msk $0xffff, v2  }
0x13f: {  	v4 =	vor.u32 $0x4007, v0;
	v2 =	vld.idx.msk [tilespmem:v5+s9+$0x0], $0xffff  }
0x140: {  	v5 =	vadd.s32 v4, v1;
	_ =	sdelay $0x3  }
0x141: {  	[tilespmem:v3+s12+$0x0] =	vst.idx.msk $0xffff, v2  }
0x142: {  	v3 =	vor.u32 $0x4008, v0;
	v2 =	vld.idx.msk [tilespmem:v5+s9+$0x0], $0xffff  }
0x143: {  	v5 =	vadd.s32 v3, v1;
	_ =	sdelay $0x3  }
0x144: {  	[tilespmem:v4+s12+$0x0] =	vst.idx.msk $0xffff, v2  }
0x145: {  	v4 =	vor.u32 $0x4009, v0;
	v2 =	vld.idx.msk [tilespmem:v5+s9+$0x0], $0xffff  }
0x146: {  	v1 =	vadd.s32 v4, v1;
	_ =	sdelay $0x3  }
0x147: {  	[tilespmem:v3+s12+$0x0] =	vst.idx.msk $0xffff, v2  }
0x148: {  	v1 =	vld.idx.msk [tilespmem:v1+s9+$0x0], $0xffff;
	_ =	sdelay $0x4  }
0x149: {  	[tilespmem:v4+s12+$0x0] =	vst.idx.msk $0xffff, v1  }
0x14a: {  	v1 =	vld [tilespmem:$0x90];
	_ =	sdelay $0x4  }
0x14b: {  	v1 =	vmul.u32 $0xA, v1  }
0x14c: {  	v2 =	vor.u32 $0x4800, v0  }
0x14d: {  	v3 =	vadd.s32 v2, v1;
	_ =	sdelay $0x4  }
0x14e: {  	v4 =	vor.u32 $0x4801, v0;
	v3 =	vld.idx.msk [tilespmem:v3+s9+$0x0], $0xffff  }
0x14f: {  	v5 =	vadd.s32 v4, v1;
	_ =	sdelay $0x3  }
0x150: {  	[tilespmem:v2+s12+$0x0] =	vst.idx.msk $0xffff, v3  }
0x151: {  	v3 =	vor.u32 $0x4802, v0;
	v2 =	vld.idx.msk [tilespmem:v5+s9+$0x0], $0xffff  }
0x152: {  	v5 =	vadd.s32 v3, v1;
	_ =	sdelay $0x3  }
0x153: {  	[tilespmem:v4+s12+$0x0] =	vst.idx.msk $0xffff, v2  }
0x154: {  	v4 =	vor.u32 $0x4803, v0;
	v2 =	vld.idx.msk [tilespmem:v5+s9+$0x0], $0xffff  }
0x155: {  	v5 =	vadd.s32 v4, v1;
	_ =	sdelay $0x3  }
0x156: {  	[tilespmem:v3+s12+$0x0] =	vst.idx.msk $0xffff, v2  }
0x157: {  	v3 =	vor.u32 $0x4804, v0;
	v2 =	vld.idx.msk [tilespmem:v5+s9+$0x0], $0xffff  }
0x158: {  	v5 =	vadd.s32 v3, v1;
	_ =	sdelay $0x3  }
0x159: {  	[tilespmem:v4+s12+$0x0] =	vst.idx.msk $0xffff, v2  }
0x15a: {  	v4 =	vor.u32 $0x4805, v0;
	v2 =	vld.idx.msk [tilespmem:v5+s9+$0x0], $0xffff  }
0x15b: {  	v5 =	vadd.s32 v4, v1;
	_ =	sdelay $0x3  }
0x15c: {  	[tilespmem:v3+s12+$0x0] =	vst.idx.msk $0xffff, v2  }
0x15d: {  	v3 =	vor.u32 $0x4806, v0;
	v2 =	vld.idx.msk [tilespmem:v5+s9+$0x0], $0xffff  }
0x15e: {  	v5 =	vadd.s32 v3, v1;
	_ =	sdelay $0x3  }
0x15f: {  	[tilespmem:v4+s12+$0x0] =	vst.idx.msk $0xffff, v2  }
0x160: {  	v4 =	vor.u32 $0x4807, v0;
	v2 =	vld.idx.msk [tilespmem:v5+s9+$0x0], $0xffff  }
0x161: {  	v5 =	vadd.s32 v4, v1;
	_ =	sdelay $0x3  }
0x162: {  	[tilespmem:v3+s12+$0x0] =	vst.idx.msk $0xffff, v2  }
0x163: {  	v3 =	vor.u32 $0x4808, v0;
	v2 =	vld.idx.msk [tilespmem:v5+s9+$0x0], $0xffff  }
0x164: {  	v5 =	vadd.s32 v3, v1;
	_ =	sdelay $0x3  }
0x165: {  	[tilespmem:v4+s12+$0x0] =	vst.idx.msk $0xffff, v2  }
0x166: {  	v4 =	vor.u32 $0x4809, v0;
	v2 =	vld.idx.msk [tilespmem:v5+s9+$0x0], $0xffff  }
0x167: {  	v1 =	vadd.s32 v4, v1;
	_ =	sdelay $0x3  }
0x168: {  	[tilespmem:v3+s12+$0x0] =	vst.idx.msk $0xffff, v2  }
0x169: {  	v1 =	vld.idx.msk [tilespmem:v1+s9+$0x0], $0xffff;
	_ =	sdelay $0x4  }
0x16a: {  	[tilespmem:v4+s12+$0x0] =	vst.idx.msk $0xffff, v1  }
0x16b: {  	v1 =	vld [tilespmem:$0xA0];
	_ =	sdelay $0x4  }
0x16c: {  	v1 =	vmul.u32 $0xA, v1  }
0x16d: {  	v2 =	vor.u32 $0x5000, v0  }
0x16e: {  	v3 =	vadd.s32 v2, v1;
	_ =	sdelay $0x4  }
0x16f: {  	v4 =	vor.u32 $0x5001, v0;
	v3 =	vld.idx.msk [tilespmem:v3+s9+$0x0], $0xffff  }
0x170: {  	v5 =	vadd.s32 v4, v1;
	_ =	sdelay $0x3  }
0x171: {  	[tilespmem:v2+s12+$0x0] =	vst.idx.msk $0xffff, v3  }
0x172: {  	v3 =	vor.u32 $0x5002, v0;
	v2 =	vld.idx.msk [tilespmem:v5+s9+$0x0], $0xffff  }
0x173: {  	v5 =	vadd.s32 v3, v1;
	_ =	sdelay $0x3  }
0x174: {  	[tilespmem:v4+s12+$0x0] =	vst.idx.msk $0xffff, v2  }
0x175: {  	v4 =	vor.u32 $0x5003, v0;
	v2 =	vld.idx.msk [tilespmem:v5+s9+$0x0], $0xffff  }
0x176: {  	v5 =	vadd.s32 v4, v1;
	_ =	sdelay $0x3  }
0x177: {  	[tilespmem:v3+s12+$0x0] =	vst.idx.msk $0xffff, v2  }
0x178: {  	v3 =	vor.u32 $0x5004, v0;
	v2 =	vld.idx.msk [tilespmem:v5+s9+$0x0], $0xffff  }
0x179: {  	v5 =	vadd.s32 v3, v1;
	_ =	sdelay $0x3  }
0x17a: {  	[tilespmem:v4+s12+$0x0] =	vst.idx.msk $0xffff, v2  }
0x17b: {  	v4 =	vor.u32 $0x5005, v0;
	v2 =	vld.idx.msk [tilespmem:v5+s9+$0x0], $0xffff  }
0x17c: {  	v5 =	vadd.s32 v4, v1;
	_ =	sdelay $0x3  }
0x17d: {  	[tilespmem:v3+s12+$0x0] =	vst.idx.msk $0xffff, v2  }
0x17e: {  	v3 =	vor.u32 $0x5006, v0;
	v2 =	vld.idx.msk [tilespmem:v5+s9+$0x0], $0xffff  }
0x17f: {  	v5 =	vadd.s32 v3, v1;
	_ =	sdelay $0x3  }
0x180: {  	[tilespmem:v4+s12+$0x0] =	vst.idx.msk $0xffff, v2  }
0x181: {  	v4 =	vor.u32 $0x5007, v0;
	v2 =	vld.idx.msk [tilespmem:v5+s9+$0x0], $0xffff  }
0x182: {  	v5 =	vadd.s32 v4, v1;
	_ =	sdelay $0x3  }
0x183: {  	[tilespmem:v3+s12+$0x0] =	vst.idx.msk $0xffff, v2  }
0x184: {  	v3 =	vor.u32 $0x5008, v0;
	v2 =	vld.idx.msk [tilespmem:v5+s9+$0x0], $0xffff  }
0x185: {  	v5 =	vadd.s32 v3, v1;
	_ =	sdelay $0x3  }
0x186: {  	[tilespmem:v4+s12+$0x0] =	vst.idx.msk $0xffff, v2  }
0x187: {  	v4 =	vor.u32 $0x5009, v0;
	v2 =	vld.idx.msk [tilespmem:v5+s9+$0x0], $0xffff  }
0x188: {  	v1 =	vadd.s32 v4, v1;
	_ =	sdelay $0x3  }
0x189: {  	[tilespmem:v3+s12+$0x0] =	vst.idx.msk $0xffff, v2  }
0x18a: {  	v1 =	vld.idx.msk [tilespmem:v1+s9+$0x0], $0xffff;
	_ =	sdelay $0x4  }
0x18b: {  	[tilespmem:v4+s12+$0x0] =	vst.idx.msk $0xffff, v1  }
0x18c: {  	v1 =	vld [tilespmem:$0xB0];
	_ =	sdelay $0x4  }
0x18d: {  	v1 =	vmul.u32 $0xA, v1  }
0x18e: {  	v2 =	vor.u32 $0x5800, v0  }
0x18f: {  	v3 =	vadd.s32 v2, v1;
	_ =	sdelay $0x4  }
0x190: {  	v4 =	vor.u32 $0x5801, v0;
	v3 =	vld.idx.msk [tilespmem:v3+s9+$0x0], $0xffff  }
0x191: {  	v5 =	vadd.s32 v4, v1;
	_ =	sdelay $0x3  }
0x192: {  	[tilespmem:v2+s12+$0x0] =	vst.idx.msk $0xffff, v3  }
0x193: {  	v3 =	vor.u32 $0x5802, v0;
	v2 =	vld.idx.msk [tilespmem:v5+s9+$0x0], $0xffff  }
0x194: {  	v5 =	vadd.s32 v3, v1;
	_ =	sdelay $0x3  }
0x195: {  	[tilespmem:v4+s12+$0x0] =	vst.idx.msk $0xffff, v2  }
0x196: {  	v4 =	vor.u32 $0x5803, v0;
	v2 =	vld.idx.msk [tilespmem:v5+s9+$0x0], $0xffff  }
0x197: {  	v5 =	vadd.s32 v4, v1;
	_ =	sdelay $0x3  }
0x198: {  	[tilespmem:v3+s12+$0x0] =	vst.idx.msk $0xffff, v2  }
0x199: {  	v3 =	vor.u32 $0x5804, v0;
	v2 =	vld.idx.msk [tilespmem:v5+s9+$0x0], $0xffff  }
0x19a: {  	v5 =	vadd.s32 v3, v1;
	_ =	sdelay $0x3  }
0x19b: {  	[tilespmem:v4+s12+$0x0] =	vst.idx.msk $0xffff, v2  }
0x19c: {  	v4 =	vor.u32 $0x5805, v0;
	v2 =	vld.idx.msk [tilespmem:v5+s9+$0x0], $0xffff  }
0x19d: {  	v5 =	vadd.s32 v4, v1;
	_ =	sdelay $0x3  }
0x19e: {  	[tilespmem:v3+s12+$0x0] =	vst.idx.msk $0xffff, v2  }
0x19f: {  	v3 =	vor.u32 $0x5806, v0;
	v2 =	vld.idx.msk [tilespmem:v5+s9+$0x0], $0xffff  }
0x1a0: {  	v5 =	vadd.s32 v3, v1;
	_ =	sdelay $0x3  }
0x1a1: {  	[tilespmem:v4+s12+$0x0] =	vst.idx.msk $0xffff, v2  }
0x1a2: {  	v4 =	vor.u32 $0x5807, v0;
	v2 =	vld.idx.msk [tilespmem:v5+s9+$0x0], $0xffff  }
0x1a3: {  	v5 =	vadd.s32 v4, v1;
	_ =	sdelay $0x3  }
0x1a4: {  	[tilespmem:v3+s12+$0x0] =	vst.idx.msk $0xffff, v2  }
0x1a5: {  	v3 =	vor.u32 $0x5808, v0;
	v2 =	vld.idx.msk [tilespmem:v5+s9+$0x0], $0xffff  }
0x1a6: {  	v5 =	vadd.s32 v3, v1;
	_ =	sdelay $0x3  }
0x1a7: {  	[tilespmem:v4+s12+$0x0] =	vst.idx.msk $0xffff, v2  }
0x1a8: {  	v4 =	vor.u32 $0x5809, v0;
	v2 =	vld.idx.msk [tilespmem:v5+s9+$0x0], $0xffff  }
0x1a9: {  	v1 =	vadd.s32 v4, v1;
	_ =	sdelay $0x3  }
0x1aa: {  	[tilespmem:v3+s12+$0x0] =	vst.idx.msk $0xffff, v2  }
0x1ab: {  	v1 =	vld.idx.msk [tilespmem:v1+s9+$0x0], $0xffff;
	_ =	sdelay $0x4  }
0x1ac: {  	[tilespmem:v4+s12+$0x0] =	vst.idx.msk $0xffff, v1  }
0x1ad: {  	v1 =	vld [tilespmem:$0xC0];
	_ =	sdelay $0x4  }
0x1ae: {  	v1 =	vmul.u32 $0xA, v1  }
0x1af: {  	v2 =	vor.u32 $0x6000, v0  }
0x1b0: {  	v3 =	vadd.s32 v2, v1;
	_ =	sdelay $0x4  }
0x1b1: {  	v4 =	vor.u32 $0x6001, v0;
	v3 =	vld.idx.msk [tilespmem:v3+s9+$0x0], $0xffff  }
0x1b2: {  	v5 =	vadd.s32 v4, v1;
	_ =	sdelay $0x3  }
0x1b3: {  	[tilespmem:v2+s12+$0x0] =	vst.idx.msk $0xffff, v3  }
0x1b4: {  	v3 =	vor.u32 $0x6002, v0;
	v2 =	vld.idx.msk [tilespmem:v5+s9+$0x0], $0xffff  }
0x1b5: {  	v5 =	vadd.s32 v3, v1;
	_ =	sdelay $0x3  }
0x1b6: {  	[tilespmem:v4+s12+$0x0] =	vst.idx.msk $0xffff, v2  }
0x1b7: {  	v4 =	vor.u32 $0x6003, v0;
	v2 =	vld.idx.msk [tilespmem:v5+s9+$0x0], $0xffff  }
0x1b8: {  	v5 =	vadd.s32 v4, v1;
	_ =	sdelay $0x3  }
0x1b9: {  	[tilespmem:v3+s12+$0x0] =	vst.idx.msk $0xffff, v2  }
0x1ba: {  	v3 =	vor.u32 $0x6004, v0;
	v2 =	vld.idx.msk [tilespmem:v5+s9+$0x0], $0xffff  }
0x1bb: {  	v5 =	vadd.s32 v3, v1;
	_ =	sdelay $0x3  }
0x1bc: {  	[tilespmem:v4+s12+$0x0] =	vst.idx.msk $0xffff, v2  }
0x1bd: {  	v4 =	vor.u32 $0x6005, v0;
	v2 =	vld.idx.msk [tilespmem:v5+s9+$0x0], $0xffff  }
0x1be: {  	v5 =	vadd.s32 v4, v1;
	_ =	sdelay $0x3  }
0x1bf: {  	[tilespmem:v3+s12+$0x0] =	vst.idx.msk $0xffff, v2  }
0x1c0: {  	v3 =	vor.u32 $0x6006, v0;
	v2 =	vld.idx.msk [tilespmem:v5+s9+$0x0], $0xffff  }
0x1c1: {  	v5 =	vadd.s32 v3, v1;
	_ =	sdelay $0x3  }
0x1c2: {  	[tilespmem:v4+s12+$0x0] =	vst.idx.msk $0xffff, v2  }
0x1c3: {  	v4 =	vor.u32 $0x6007, v0;
	v2 =	vld.idx.msk [tilespmem:v5+s9+$0x0], $0xffff  }
0x1c4: {  	v5 =	vadd.s32 v4, v1;
	_ =	sdelay $0x3  }
0x1c5: {  	[tilespmem:v3+s12+$0x0] =	vst.idx.msk $0xffff, v2  }
0x1c6: {  	v3 =	vor.u32 $0x6008, v0;
	v2 =	vld.idx.msk [tilespmem:v5+s9+$0x0], $0xffff  }
0x1c7: {  	v5 =	vadd.s32 v3, v1;
	_ =	sdelay $0x3  }
0x1c8: {  	[tilespmem:v4+s12+$0x0] =	vst.idx.msk $0xffff, v2  }
0x1c9: {  	v4 =	vor.u32 $0x6009, v0;
	v2 =	vld.idx.msk [tilespmem:v5+s9+$0x0], $0xffff  }
0x1ca: {  	v1 =	vadd.s32 v4, v1;
	_ =	sdelay $0x3  }
0x1cb: {  	[tilespmem:v3+s12+$0x0] =	vst.idx.msk $0xffff, v2  }
0x1cc: {  	v1 =	vld.idx.msk [tilespmem:v1+s9+$0x0], $0xffff;
	_ =	sdelay $0x4  }
0x1cd: {  	[tilespmem:v4+s12+$0x0] =	vst.idx.msk $0xffff, v1  }
0x1ce: {  	v1 =	vld [tilespmem:$0xD0];
	_ =	sdelay $0x4  }
0x1cf: {  	v1 =	vmul.u32 $0xA, v1  }
0x1d0: {  	v2 =	vor.u32 $0x6800, v0  }
0x1d1: {  	v3 =	vadd.s32 v2, v1;
	_ =	sdelay $0x4  }
0x1d2: {  	v4 =	vor.u32 $0x6801, v0;
	v3 =	vld.idx.msk [tilespmem:v3+s9+$0x0], $0xffff  }
0x1d3: {  	v5 =	vadd.s32 v4, v1;
	_ =	sdelay $0x3  }
0x1d4: {  	[tilespmem:v2+s12+$0x0] =	vst.idx.msk $0xffff, v3  }
0x1d5: {  	v3 =	vor.u32 $0x6802, v0;
	v2 =	vld.idx.msk [tilespmem:v5+s9+$0x0], $0xffff  }
0x1d6: {  	v5 =	vadd.s32 v3, v1;
	_ =	sdelay $0x3  }
0x1d7: {  	[tilespmem:v4+s12+$0x0] =	vst.idx.msk $0xffff, v2  }
0x1d8: {  	v4 =	vor.u32 $0x6803, v0;
	v2 =	vld.idx.msk [tilespmem:v5+s9+$0x0], $0xffff  }
0x1d9: {  	v5 =	vadd.s32 v4, v1;
	_ =	sdelay $0x3  }
0x1da: {  	[tilespmem:v3+s12+$0x0] =	vst.idx.msk $0xffff, v2  }
0x1db: {  	v3 =	vor.u32 $0x6804, v0;
	v2 =	vld.idx.msk [tilespmem:v5+s9+$0x0], $0xffff  }
0x1dc: {  	v5 =	vadd.s32 v3, v1;
	_ =	sdelay $0x3  }
0x1dd: {  	[tilespmem:v4+s12+$0x0] =	vst.idx.msk $0xffff, v2  }
0x1de: {  	v4 =	vor.u32 $0x6805, v0;
	v2 =	vld.idx.msk [tilespmem:v5+s9+$0x0], $0xffff  }
0x1df: {  	v5 =	vadd.s32 v4, v1;
	_ =	sdelay $0x3  }
0x1e0: {  	[tilespmem:v3+s12+$0x0] =	vst.idx.msk $0xffff, v2  }
0x1e1: {  	v3 =	vor.u32 $0x6806, v0;
	v2 =	vld.idx.msk [tilespmem:v5+s9+$0x0], $0xffff  }
0x1e2: {  	v5 =	vadd.s32 v3, v1;
	_ =	sdelay $0x3  }
0x1e3: {  	[tilespmem:v4+s12+$0x0] =	vst.idx.msk $0xffff, v2  }
0x1e4: {  	v4 =	vor.u32 $0x6807, v0;
	v2 =	vld.idx.msk [tilespmem:v5+s9+$0x0], $0xffff  }
0x1e5: {  	v5 =	vadd.s32 v4, v1;
	_ =	sdelay $0x3  }
0x1e6: {  	[tilespmem:v3+s12+$0x0] =	vst.idx.msk $0xffff, v2  }
0x1e7: {  	v3 =	vor.u32 $0x6808, v0;
	v2 =	vld.idx.msk [tilespmem:v5+s9+$0x0], $0xffff  }
0x1e8: {  	v5 =	vadd.s32 v3, v1;
	_ =	sdelay $0x3  }
0x1e9: {  	[tilespmem:v4+s12+$0x0] =	vst.idx.msk $0xffff, v2  }
0x1ea: {  	v4 =	vor.u32 $0x6809, v0;
	v2 =	vld.idx.msk [tilespmem:v5+s9+$0x0], $0xffff  }
0x1eb: {  	v1 =	vadd.s32 v4, v1;
	_ =	sdelay $0x3  }
0x1ec: {  	[tilespmem:v3+s12+$0x0] =	vst.idx.msk $0xffff, v2  }
0x1ed: {  	v1 =	vld.idx.msk [tilespmem:v1+s9+$0x0], $0xffff;
	_ =	sdelay $0x4  }
0x1ee: {  	[tilespmem:v4+s12+$0x0] =	vst.idx.msk $0xffff, v1  }
0x1ef: {  	v1 =	vld [tilespmem:$0xE0];
	_ =	sdelay $0x4  }
0x1f0: {  	v1 =	vmul.u32 $0xA, v1  }
0x1f1: {  	v2 =	vor.u32 $0x7000, v0  }
0x1f2: {  	v3 =	vadd.s32 v2, v1;
	_ =	sdelay $0x4  }
0x1f3: {  	v4 =	vor.u32 $0x7001, v0;
	v3 =	vld.idx.msk [tilespmem:v3+s9+$0x0], $0xffff  }
0x1f4: {  	v5 =	vadd.s32 v4, v1;
	_ =	sdelay $0x3  }
0x1f5: {  	[tilespmem:v2+s12+$0x0] =	vst.idx.msk $0xffff, v3  }
0x1f6: {  	v3 =	vor.u32 $0x7002, v0;
	v2 =	vld.idx.msk [tilespmem:v5+s9+$0x0], $0xffff  }
0x1f7: {  	v5 =	vadd.s32 v3, v1;
	_ =	sdelay $0x3  }
0x1f8: {  	[tilespmem:v4+s12+$0x0] =	vst.idx.msk $0xffff, v2  }
0x1f9: {  	v4 =	vor.u32 $0x7003, v0;
	v2 =	vld.idx.msk [tilespmem:v5+s9+$0x0], $0xffff  }
0x1fa: {  	v5 =	vadd.s32 v4, v1;
	_ =	sdelay $0x3  }
0x1fb: {  	[tilespmem:v3+s12+$0x0] =	vst.idx.msk $0xffff, v2  }
0x1fc: {  	v3 =	vor.u32 $0x7004, v0;
	v2 =	vld.idx.msk [tilespmem:v5+s9+$0x0], $0xffff  }
0x1fd: {  	v5 =	vadd.s32 v3, v1;
	_ =	sdelay $0x3  }
0x1fe: {  	[tilespmem:v4+s12+$0x0] =	vst.idx.msk $0xffff, v2  }
0x1ff: {  	v4 =	vor.u32 $0x7005, v0;
	v2 =	vld.idx.msk [tilespmem:v5+s9+$0x0], $0xffff  }
0x200: {  	v5 =	vadd.s32 v4, v1;
	_ =	sdelay $0x3  }
0x201: {  	[tilespmem:v3+s12+$0x0] =	vst.idx.msk $0xffff, v2  }
0x202: {  	v3 =	vor.u32 $0x7006, v0;
	v2 =	vld.idx.msk [tilespmem:v5+s9+$0x0], $0xffff  }
0x203: {  	v5 =	vadd.s32 v3, v1;
	_ =	sdelay $0x3  }
0x204: {  	[tilespmem:v4+s12+$0x0] =	vst.idx.msk $0xffff, v2  }
0x205: {  	v4 =	vor.u32 $0x7007, v0;
	v2 =	vld.idx.msk [tilespmem:v5+s9+$0x0], $0xffff  }
0x206: {  	v5 =	vadd.s32 v4, v1;
	_ =	sdelay $0x3  }
0x207: {  	[tilespmem:v3+s12+$0x0] =	vst.idx.msk $0xffff, v2  }
0x208: {  	v3 =	vor.u32 $0x7008, v0;
	v2 =	vld.idx.msk [tilespmem:v5+s9+$0x0], $0xffff  }
0x209: {  	v5 =	vadd.s32 v3, v1;
	_ =	sdelay $0x3  }
0x20a: {  	[tilespmem:v4+s12+$0x0] =	vst.idx.msk $0xffff, v2  }
0x20b: {  	v4 =	vor.u32 $0x7009, v0;
	v2 =	vld.idx.msk [tilespmem:v5+s9+$0x0], $0xffff  }
0x20c: {  	v1 =	vadd.s32 v4, v1;
	_ =	sdelay $0x3  }
0x20d: {  	[tilespmem:v3+s12+$0x0] =	vst.idx.msk $0xffff, v2  }
0x20e: {  	v1 =	vld.idx.msk [tilespmem:v1+s9+$0x0], $0xffff;
	_ =	sdelay $0x4  }
0x20f: {  	[tilespmem:v4+s12+$0x0] =	vst.idx.msk $0xffff, v1  }
0x210: {  	v1 =	vld [tilespmem:$0xF0];
	_ =	sdelay $0x4  }
0x211: {  	v1 =	vmul.u32 $0xA, v1  }
0x212: {  	v2 =	vor.u32 $0x7800, v0  }
0x213: {  	v3 =	vadd.s32 v2, v1;
	_ =	sdelay $0x4  }
0x214: {  	v4 =	vor.u32 $0x7801, v0;
	v3 =	vld.idx.msk [tilespmem:v3+s9+$0x0], $0xffff  }
0x215: {  	v5 =	vadd.s32 v4, v1;
	_ =	sdelay $0x3  }
0x216: {  	[tilespmem:v2+s12+$0x0] =	vst.idx.msk $0xffff, v3  }
0x217: {  	v3 =	vor.u32 $0x7802, v0;
	v2 =	vld.idx.msk [tilespmem:v5+s9+$0x0], $0xffff  }
0x218: {  	v5 =	vadd.s32 v3, v1;
	_ =	sdelay $0x3  }
0x219: {  	[tilespmem:v4+s12+$0x0] =	vst.idx.msk $0xffff, v2  }
0x21a: {  	v4 =	vor.u32 $0x7803, v0;
	v2 =	vld.idx.msk [tilespmem:v5+s9+$0x0], $0xffff  }
0x21b: {  	v5 =	vadd.s32 v4, v1;
	_ =	sdelay $0x3  }
0x21c: {  	[tilespmem:v3+s12+$0x0] =	vst.idx.msk $0xffff, v2  }
0x21d: {  	v3 =	vor.u32 $0x7804, v0;
	v2 =	vld.idx.msk [tilespmem:v5+s9+$0x0], $0xffff  }
0x21e: {  	v5 =	vadd.s32 v3, v1;
	_ =	sdelay $0x3  }
0x21f: {  	[tilespmem:v4+s12+$0x0] =	vst.idx.msk $0xffff, v2  }
0x220: {  	v4 =	vor.u32 $0x7805, v0;
	v2 =	vld.idx.msk [tilespmem:v5+s9+$0x0], $0xffff  }
0x221: {  	v5 =	vadd.s32 v4, v1;
	_ =	sdelay $0x3  }
0x222: {  	[tilespmem:v3+s12+$0x0] =	vst.idx.msk $0xffff, v2  }
0x223: {  	v3 =	vor.u32 $0x7806, v0;
	v2 =	vld.idx.msk [tilespmem:v5+s9+$0x0], $0xffff  }
0x224: {  	v5 =	vadd.s32 v3, v1;
	_ =	sdelay $0x3  }
0x225: {  	[tilespmem:v4+s12+$0x0] =	vst.idx.msk $0xffff, v2  }
0x226: {  	v4 =	vor.u32 $0x7807, v0;
	v2 =	vld.idx.msk [tilespmem:v5+s9+$0x0], $0xffff  }
0x227: {  	v5 =	vadd.s32 v4, v1;
	_ =	sdelay $0x3  }
0x228: {  	[tilespmem:v3+s12+$0x0] =	vst.idx.msk $0xffff, v2  }
0x229: {  	v3 =	vor.u32 $0x7808, v0;
	v2 =	vld.idx.msk [tilespmem:v5+s9+$0x0], $0xffff  }
0x22a: {  	v5 =	vadd.s32 v3, v1;
	_ =	sdelay $0x3  }
0x22b: {  	[tilespmem:v4+s12+$0x0] =	vst.idx.msk $0xffff, v2  }
0x22c: {  	v4 =	vor.u32 $0x7809, v0;
	v2 =	vld.idx.msk [tilespmem:v5+s9+$0x0], $0xffff  }
0x22d: {  	v1 =	vadd.s32 v4, v1;
	_ =	sdelay $0x3  }
0x22e: {  	[tilespmem:v3+s12+$0x0] =	vst.idx.msk $0xffff, v2  }
0x22f: {  	v1 =	vld.idx.msk [tilespmem:v1+s9+$0x0], $0xffff;
	_ =	sdelay $0x4  }
0x230: {  	[tilespmem:v4+s12+$0x0] =	vst.idx.msk $0xffff, v1  }
0x231: {  	_ =	swait.ge [sflag:s11], $0x4000  }
0x232: {  	p0 =	sne.s32 s8, $0x1;
	[sflag:s11] =	ssyncset.done $0x0  }
.Ltmp0:
0x233: {  	[sflag:s11] =	ssyncadd.s32 $0xFFFFC000;
	(pc) =	sbr.rel @p0 .LBB2_1-.Ltmp0, $4  }
0x234: {  	[hbm4b:s7+s1] =	stream.linear.scatter [tilespmem:s14], [sflag:$0x3], $0x4000, $0x38;
	[tilespmem:$0x10100] =	vst v63  }
0x235: {  	_ =	swait.ge [sflag:s15], $0x4000  }
0x236: {  	[sflag:s15] =	ssyncset.done $0x0  }
0x237: {  	s8 =	sadd.s32 $0xFFFFFFFF, s8;
	[sflag:s15] =	ssyncadd.s32 $0xFFFFC000  }
0x238: {  	_ =	sfence.sel $0x180000  }
0x239: {  	[bflag:$0x0] =	sbarrier.arrive $0xFFFF  }
0x23a: {  	p0 =	sne.s32 s2, $0x0;
	_ =	strace $0x90000047  }
0x23b: {  	s0 =	sadd.s32 @!p0 $0x100000, s0;
	[bflag:$0x2] =	sbarrier.arrive $0xFFFF  }
0x23c: {  	[sflag:s0] =	ssyncadd.tile.s32 @!p0 $0x1;
	_ =	shalt  }
.Lfunc_end2:
_tile_overlayer_lowered:
.L_overlay_start_2:
0x23d: {  	(tag) =	ssettag $0x2  }
0x23e: {  	s0 =	rddreg [dreg:$0x0];
	s2 =	stileid.u32  }
0x23f: {  	s1 =	rddreg [dreg:$0x1];
	p0 =	sne.s32 s2, $0x0  }
0x240: {  	s3 =	rddreg [dreg:$0x2];
	[bflag:$0x3] =	sbarrier.arrive $0xFFFF;
	s2 =	simm.s32 @!p0 $0x1C03  }
0x241: {  	[timem:s3], [sflag:s2] =	dma.local @!p0 [hbm:s0], s1  }
0x242: {  	s0 =	simm.s32 @!p0 $0x3  }
0x243: {  	_ =	swait.ge @!p0 [sflag:s0], s1  }
0x244: {  	s1 =	ssub.s32 @!p0 $0x0, s1;
	[sflag:s0] =	ssyncset.done @!p0 $0x0  }
0x245: {  	[sflag:s0] =	ssyncadd.s32 @!p0 s1  }
0x246: {  	[bflag:$0x3] =	sbarrier.arrive $0xFFFF  }
0x247: {  	_ =	shalt  }

</sc_bundles>
